<compile_context>
chip_gen: v7x
topology: tpu7x:2x2x1
jax: 0.10.2.dev20260603
libtpu: 0.0.44.dev20260713+nightly
codegen_flags: <defaults>
</compile_context>

<pallas_src>
import functools

import jax
import jax.numpy as jnp
from jax import lax
from jax.experimental import pallas as pl
from jax.experimental.pallas import tpu as pltpu
from jax.experimental.pallas import tpu_sc as plsc

N_EMBD = 64
SEQ = 200
BATCH = 4096
N_ROWS = BATCH * SEQ

_INFO = plsc.get_sparse_core_info()
NC, NS, L = _INFO.num_cores, _INFO.num_subcores, _INFO.num_lanes
NW = NC * NS

SEQ_PER_WORKER = BATCH // NW
CHUNK_SEQS = 2
CHUNK_ROWS = CHUNK_SEQS * SEQ
CHUNKS = SEQ_PER_WORKER // CHUNK_SEQS
ROWS_PER_WORKER = SEQ_PER_WORKER * SEQ
RING = 4

_mesh = plsc.VectorSubcoreMesh(core_axis_name="c", subcore_axis_name="s")


@functools.partial(
    pl.kernel,
    mesh=_mesh,
    out_type=jax.ShapeDtypeStruct((N_ROWS, N_EMBD), jnp.float32),
    scratch_types=[
        pltpu.VMEM((SEQ, N_EMBD), jnp.float32),
        pltpu.VMEM((RING, CHUNK_ROWS), jnp.int32),
        pltpu.VMEM((RING, CHUNK_ROWS, N_EMBD), jnp.float32),
    ]
    + [pltpu.SemaphoreType.DMA] * RING
    + [pltpu.SemaphoreType.DMA] * RING,
    compiler_params=pltpu.CompilerParams(use_tc_tiling_on_sc=False),
)
def _emb_lookup(idx_hbm, tok_hbm, pos_hbm, out_hbm, pos_v, idx_v, rows_v, *sems):
    gsem = sems[:RING]
    osem = sems[RING:]
    wid = lax.axis_index("s") * NC + lax.axis_index("c")
    base_row = wid * ROWS_PER_WORKER
    pltpu.sync_copy(pos_hbm, pos_v)

    def issue_gather(h, slot):
        row0 = base_row + h * CHUNK_ROWS
        pltpu.sync_copy(idx_hbm.at[pl.ds(row0, CHUNK_ROWS)], idx_v.at[slot])
        pltpu.async_copy(tok_hbm.at[idx_v.at[slot]], rows_v.at[slot], gsem[slot])

    issue_gather(0, 0)
    issue_gather(1, 1)

    def group_body(gg, carry):
        for b in range(RING):
            g = gg * RING + b
            hb = (b + 2) % RING

            @pl.when(g + 2 < CHUNKS)
            def _():
                @pl.when(g + 2 >= RING)
                def _():
                    pltpu.make_async_copy(
                        rows_v.at[hb],
                        out_hbm.at[pl.ds(base_row, CHUNK_ROWS)],
                        osem[hb],
                    ).wait()
                issue_gather(g + 2, hb)

            pltpu.make_async_copy(
                tok_hbm.at[idx_v.at[b]], rows_v.at[b], gsem[b]
            ).wait()

            def row_body(r, carry2):
                for c in range(N_EMBD // L):
                    col = pl.ds(c * L, L)
                    pvec = pos_v[r, col]
                    for s in range(CHUNK_SEQS):
                        rr = s * SEQ + r
                        rows_v[b, rr, col] = rows_v[b, rr, col] + pvec
                return carry2

            lax.fori_loop(0, SEQ, row_body, 0)

            pltpu.async_copy(
                rows_v.at[b],
                out_hbm.at[pl.ds(base_row + g * CHUNK_ROWS, CHUNK_ROWS)],
                osem[b],
            )
        return carry

    lax.fori_loop(0, CHUNKS // RING, group_body, 0)

    for b in range(RING):
        pltpu.make_async_copy(
            rows_v.at[b],
            out_hbm.at[pl.ds(base_row, CHUNK_ROWS)],
            osem[b],
        ).wait()


def kernel(x, tok_emb, pos_emb):
    idx = x.reshape(-1).astype(jnp.int32)
    out = _emb_lookup(idx, tok_emb, pos_emb)
    return out.reshape(x.shape[0], x.shape[1], N_EMBD)

# --- scband reference (transcript-rebuilt; emitter-appended) ---
"""Pipeline reference for scband-simple-token-embedding-83064667504957 (READ-ONLY COPY).

The authoritative reference and input builder live on the scoring server;
editing this copy changes nothing except your own understanding.
"""

import jax, jax.numpy as jnp
import numpy as np

N_EMBD = 64
N_TOK = 100000
N_SEQ = 200
BATCH = 4096
SEQ = 200


def setup_inputs(seed: int = 0) -> dict:
    key = jax.random.key(seed)
    k1, k2, k3 = jax.random.split(key, 3)
    x = jax.random.randint(k1, (BATCH, SEQ), 0, N_TOK, dtype=jnp.int64 if jax.config.jax_enable_x64 else jnp.int32)
    tok_emb = jax.random.normal(k2, (N_TOK, N_EMBD), dtype=jnp.float32) * 0.02
    pos_emb = jax.random.normal(k3, (N_SEQ, N_EMBD), dtype=jnp.float32) * 0.02
    return {"x": x, "tok_emb": tok_emb, "pos_emb": pos_emb}


def reference(x, tok_emb, pos_emb):
    # tok_emb(x): gather rows of token table
    tok = jnp.take(tok_emb, x, axis=0)  # [B, S, D]
    # pos_emb(arange(S)).unsqueeze(0)
    pos_idx = jnp.arange(0, x.shape[1], dtype=jnp.int32)
    pos = jnp.take(pos_emb, pos_idx, axis=0)[None, :, :]  # [1, S, D]
    return tok + pos

if __name__ == "__main__":
    import jax
    _d = setup_inputs()
    print(jax.jit(kernel)(*tuple(_d.values())))

</pallas_src>

<mosaic_0001>
#map = affine_map<(d0, d1) -> (0)>
#map1 = affine_map<(d0, d1) -> (0, 0)>
module attributes {stable_mosaic.version = 14 : i64} {
  func.func @_emb_lookup(%arg0: i32, %arg1: i32, %arg2: memref<819200xi32, #tpu.memory_space<hbm>>, %arg3: memref<100000x64xf32, #tpu.memory_space<hbm>>, %arg4: memref<200x64xf32, #tpu.memory_space<hbm>>, %arg5: memref<819200x64xf32, #tpu.memory_space<hbm>>, %arg6: memref<200x64xf32, #tpu.memory_space<vmem>>, %arg7: memref<4x400xi32, #tpu.memory_space<vmem>>, %arg8: memref<4x400x64xf32, #tpu.memory_space<vmem>>, %arg9: memref<!tpu.dma_semaphore, #tpu.memory_space<semaphore_mem>>, %arg10: memref<!tpu.dma_semaphore, #tpu.memory_space<semaphore_mem>>, %arg11: memref<!tpu.dma_semaphore, #tpu.memory_space<semaphore_mem>>, %arg12: memref<!tpu.dma_semaphore, #tpu.memory_space<semaphore_mem>>, %arg13: memref<!tpu.dma_semaphore, #tpu.memory_space<semaphore_mem>>, %arg14: memref<!tpu.dma_semaphore, #tpu.memory_space<semaphore_mem>>, %arg15: memref<!tpu.dma_semaphore, #tpu.memory_space<semaphore_mem>>, %arg16: memref<!tpu.dma_semaphore, #tpu.memory_space<semaphore_mem>>) attributes {dimension_semantics = [#tpu.dimension_semantics<core_parallel>, #tpu.dimension_semantics<subcore_parallel>], iteration_bounds = array<i64: 2, 16>, scalar_prefetch = 0 : i64, scratch_operands = 11 : i64, tpu.core_type = #tpu.core_type<sc_vector_subcore>, window_params = [{transform_indices = #map}, {transform_indices = #map1}, {transform_indices = #map1}, {transform_indices = #map1}]} {
    %mul3A = arith.constant 2 : i32
    %mul3A_0 = arith.muli %arg1, %mul3A : i32
    %add3A = arith.addi %mul3A_0, %arg0 : i32
    %mul3A_1 = arith.constant 25600 : i32
    %mul3A_2 = arith.muli %add3A, %mul3A_1 : i32
    "tpu.region"() ({
      %run_scoped3A_87 = tpu.sem_alloc : memref<!tpu.dma_semaphore, #tpu.memory_space<semaphore_mem>>
      tpu.enqueue_dma source(%arg4 : memref<200x64xf32, #tpu.memory_space<hbm>>) target(%arg6 : memref<200x64xf32, #tpu.memory_space<vmem>>) target_semaphore(%run_scoped3A_87 : memref<!tpu.dma_semaphore, #tpu.memory_space<semaphore_mem>>)
      tpu.wait_dma2 semaphore(%run_scoped3A_87 : memref<!tpu.dma_semaphore, #tpu.memory_space<semaphore_mem>>) src(%arg4 : memref<200x64xf32, #tpu.memory_space<hbm>>) dst(%arg6 : memref<200x64xf32, #tpu.memory_space<vmem>>)
      tpu.yield
    }) : () -> ()
    %add3A_3 = arith.constant 0 : i32
    %add3A_4 = arith.addi %mul3A_2, %add3A_3 : i32
    %run_scoped3A = arith.constant 0 : i32
    "tpu.region"() ({
      %run_scoped3A_87 = tpu.sem_alloc : memref<!tpu.dma_semaphore, #tpu.memory_space<semaphore_mem>>
      %dma_start3A_88 = arith.constant 0 : i32
      %dma_start3A_89 = tpu.memref_slice %arg7[%run_scoped3A, %dma_start3A_88] : memref<4x400xi32, #tpu.memory_space<vmem>> -> memref<1x400xi32, #tpu.memory_space<vmem>>
      %dma_start3A_90 = tpu.memref_squeeze %dma_start3A_89 : memref<1x400xi32, #tpu.memory_space<vmem>> -> memref<400xi32, #tpu.memory_space<vmem>>
      %dma_start3A_91 = tpu.memref_slice %arg2[%add3A_4] : memref<819200xi32, #tpu.memory_space<hbm>> -> memref<400xi32, #tpu.memory_space<hbm>>
      %dma_start3A_92 = arith.constant 0 : i32
      %dma_start3A_93 = tpu.memref_slice %arg7[%run_scoped3A, %dma_start3A_92] : memref<4x400xi32, #tpu.memory_space<vmem>> -> memref<1x400xi32, #tpu.memory_space<vmem>>
      %dma_start3A_94 = tpu.memref_squeeze %dma_start3A_93 : memref<1x400xi32, #tpu.memory_space<vmem>> -> memref<400xi32, #tpu.memory_space<vmem>>
      %dma_start3A_95 = tpu.memref_slice %arg2[%add3A_4] : memref<819200xi32, #tpu.memory_space<hbm>> -> memref<400xi32, #tpu.memory_space<hbm>>
      tpu.enqueue_dma source(%dma_start3A_95 : memref<400xi32, #tpu.memory_space<hbm>>) target(%dma_start3A_94 : memref<400xi32, #tpu.memory_space<vmem>>) target_semaphore(%run_scoped3A_87 : memref<!tpu.dma_semaphore, #tpu.memory_space<semaphore_mem>>)
      %dma_wait3A_96 = arith.constant 0 : i32
      %dma_wait3A_97 = tpu.memref_slice %arg7[%run_scoped3A, %dma_wait3A_96] : memref<4x400xi32, #tpu.memory_space<vmem>> -> memref<1x400xi32, #tpu.memory_space<vmem>>
      %dma_wait3A_98 = tpu.memref_squeeze %dma_wait3A_97 : memref<1x400xi32, #tpu.memory_space<vmem>> -> memref<400xi32, #tpu.memory_space<vmem>>
      %dma_wait3A_99 = tpu.memref_slice %arg2[%add3A_4] : memref<819200xi32, #tpu.memory_space<hbm>> -> memref<400xi32, #tpu.memory_space<hbm>>
      %dma_wait3A_100 = arith.constant 0 : i32
      %dma_wait3A_101 = tpu.memref_slice %arg7[%run_scoped3A, %dma_wait3A_100] : memref<4x400xi32, #tpu.memory_space<vmem>> -> memref<1x400xi32, #tpu.memory_space<vmem>>
      %dma_wait3A_102 = tpu.memref_squeeze %dma_wait3A_101 : memref<1x400xi32, #tpu.memory_space<vmem>> -> memref<400xi32, #tpu.memory_space<vmem>>
      %dma_wait3A_103 = tpu.memref_slice %arg2[%add3A_4] : memref<819200xi32, #tpu.memory_space<hbm>> -> memref<400xi32, #tpu.memory_space<hbm>>
      tpu.wait_dma2 semaphore(%run_scoped3A_87 : memref<!tpu.dma_semaphore, #tpu.memory_space<semaphore_mem>>) src(%dma_wait3A_103 : memref<400xi32, #tpu.memory_space<hbm>>) dst(%dma_wait3A_102 : memref<400xi32, #tpu.memory_space<vmem>>)
      tpu.yield
    }) : () -> ()
    %dma_start3A = arith.constant 0 : i32
    %dma_start3A_5 = arith.constant 0 : i32
    %dma_start3A_6 = arith.constant 0 : i32
    %dma_start3A_7 = arith.constant 0 : i32
    %dma_start3A_8 = tpu.memref_slice %arg8[%dma_start3A_5, %dma_start3A_6, %dma_start3A_7] : memref<4x400x64xf32, #tpu.memory_space<vmem>> -> memref<1x400x64xf32, #tpu.memory_space<vmem>>
    %dma_start3A_9 = tpu.memref_squeeze %dma_start3A_8 : memref<1x400x64xf32, #tpu.memory_space<vmem>> -> memref<400x64xf32, #tpu.memory_space<vmem>>
    %dma_start3A_10 = arith.constant 0 : i32
    %dma_start3A_11 = tpu.memref_slice %arg7[%dma_start3A, %dma_start3A_10] : memref<4x400xi32, #tpu.memory_space<vmem>> -> memref<1x400xi32, #tpu.memory_space<vmem>>
    %dma_start3A_12 = tpu.memref_squeeze %dma_start3A_11 : memref<1x400xi32, #tpu.memory_space<vmem>> -> memref<400xi32, #tpu.memory_space<vmem>>
    %dma_start3A_13 = arith.constant 0 : i32
    %dma_start3A_14 = arith.constant 0 : i32
    %dma_start3A_15 = tpu.memref_slice %arg3[%dma_start3A_13, %dma_start3A_14] : memref<100000x64xf32, #tpu.memory_space<hbm>> -> memref<100000x64xf32, #tpu.memory_space<hbm>>
    tpu.enqueue_indirect_dma source(%dma_start3A_15 : memref<100000x64xf32, #tpu.memory_space<hbm>>) target(%dma_start3A_9 : memref<400x64xf32, #tpu.memory_space<vmem>>) offsets(%dma_start3A_12 : memref<400xi32, #tpu.memory_space<vmem>>) semaphore(%arg9 : memref<!tpu.dma_semaphore, #tpu.memory_space<semaphore_mem>>)
    %add3A_16 = arith.constant 400 : i32
    %add3A_17 = arith.addi %mul3A_2, %add3A_16 : i32
    %run_scoped3A_18 = arith.constant 1 : i32
    "tpu.region"() ({
      %run_scoped3A_87 = tpu.sem_alloc : memref<!tpu.dma_semaphore, #tpu.memory_space<semaphore_mem>>
      %dma_start3A_88 = arith.constant 0 : i32
      %dma_start3A_89 = tpu.memref_slice %arg7[%run_scoped3A_18, %dma_start3A_88] : memref<4x400xi32, #tpu.memory_space<vmem>> -> memref<1x400xi32, #tpu.memory_space<vmem>>
      %dma_start3A_90 = tpu.memref_squeeze %dma_start3A_89 : memref<1x400xi32, #tpu.memory_space<vmem>> -> memref<400xi32, #tpu.memory_space<vmem>>
      %dma_start3A_91 = tpu.memref_slice %arg2[%add3A_17] : memref<819200xi32, #tpu.memory_space<hbm>> -> memref<400xi32, #tpu.memory_space<hbm>>
      %dma_start3A_92 = arith.constant 0 : i32
      %dma_start3A_93 = tpu.memref_slice %arg7[%run_scoped3A_18, %dma_start3A_92] : memref<4x400xi32, #tpu.memory_space<vmem>> -> memref<1x400xi32, #tpu.memory_space<vmem>>
      %dma_start3A_94 = tpu.memref_squeeze %dma_start3A_93 : memref<1x400xi32, #tpu.memory_space<vmem>> -> memref<400xi32, #tpu.memory_space<vmem>>
      %dma_start3A_95 = tpu.memref_slice %arg2[%add3A_17] : memref<819200xi32, #tpu.memory_space<hbm>> -> memref<400xi32, #tpu.memory_space<hbm>>
      tpu.enqueue_dma source(%dma_start3A_95 : memref<400xi32, #tpu.memory_space<hbm>>) target(%dma_start3A_94 : memref<400xi32, #tpu.memory_space<vmem>>) target_semaphore(%run_scoped3A_87 : memref<!tpu.dma_semaphore, #tpu.memory_space<semaphore_mem>>)
      %dma_wait3A_96 = arith.constant 0 : i32
      %dma_wait3A_97 = tpu.memref_slice %arg7[%run_scoped3A_18, %dma_wait3A_96] : memref<4x400xi32, #tpu.memory_space<vmem>> -> memref<1x400xi32, #tpu.memory_space<vmem>>
      %dma_wait3A_98 = tpu.memref_squeeze %dma_wait3A_97 : memref<1x400xi32, #tpu.memory_space<vmem>> -> memref<400xi32, #tpu.memory_space<vmem>>
      %dma_wait3A_99 = tpu.memref_slice %arg2[%add3A_17] : memref<819200xi32, #tpu.memory_space<hbm>> -> memref<400xi32, #tpu.memory_space<hbm>>
      %dma_wait3A_100 = arith.constant 0 : i32
      %dma_wait3A_101 = tpu.memref_slice %arg7[%run_scoped3A_18, %dma_wait3A_100] : memref<4x400xi32, #tpu.memory_space<vmem>> -> memref<1x400xi32, #tpu.memory_space<vmem>>
      %dma_wait3A_102 = tpu.memref_squeeze %dma_wait3A_101 : memref<1x400xi32, #tpu.memory_space<vmem>> -> memref<400xi32, #tpu.memory_space<vmem>>
      %dma_wait3A_103 = tpu.memref_slice %arg2[%add3A_17] : memref<819200xi32, #tpu.memory_space<hbm>> -> memref<400xi32, #tpu.memory_space<hbm>>
      tpu.wait_dma2 semaphore(%run_scoped3A_87 : memref<!tpu.dma_semaphore, #tpu.memory_space<semaphore_mem>>) src(%dma_wait3A_103 : memref<400xi32, #tpu.memory_space<hbm>>) dst(%dma_wait3A_102 : memref<400xi32, #tpu.memory_space<vmem>>)
      tpu.yield
    }) : () -> ()
    %dma_start3A_19 = arith.constant 1 : i32
    %dma_start3A_20 = arith.constant 1 : i32
    %dma_start3A_21 = arith.constant 0 : i32
    %dma_start3A_22 = arith.constant 0 : i32
    %dma_start3A_23 = tpu.memref_slice %arg8[%dma_start3A_20, %dma_start3A_21, %dma_start3A_22] : memref<4x400x64xf32, #tpu.memory_space<vmem>> -> memref<1x400x64xf32, #tpu.memory_space<vmem>>
    %dma_start3A_24 = tpu.memref_squeeze %dma_start3A_23 : memref<1x400x64xf32, #tpu.memory_space<vmem>> -> memref<400x64xf32, #tpu.memory_space<vmem>>
    %dma_start3A_25 = arith.constant 0 : i32
    %dma_start3A_26 = tpu.memref_slice %arg7[%dma_start3A_19, %dma_start3A_25] : memref<4x400xi32, #tpu.memory_space<vmem>> -> memref<1x400xi32, #tpu.memory_space<vmem>>
    %dma_start3A_27 = tpu.memref_squeeze %dma_start3A_26 : memref<1x400xi32, #tpu.memory_space<vmem>> -> memref<400xi32, #tpu.memory_space<vmem>>
    %dma_start3A_28 = arith.constant 0 : i32
    %dma_start3A_29 = arith.constant 0 : i32
    %dma_start3A_30 = tpu.memref_slice %arg3[%dma_start3A_28, %dma_start3A_29] : memref<100000x64xf32, #tpu.memory_space<hbm>> -> memref<100000x64xf32, #tpu.memory_space<hbm>>
    tpu.enqueue_indirect_dma source(%dma_start3A_30 : memref<100000x64xf32, #tpu.memory_space<hbm>>) target(%dma_start3A_24 : memref<400x64xf32, #tpu.memory_space<vmem>>) offsets(%dma_start3A_27 : memref<400xi32, #tpu.memory_space<vmem>>) semaphore(%arg10 : memref<!tpu.dma_semaphore, #tpu.memory_space<semaphore_mem>>)
    %scan3A = arith.constant 0 : i32
    %scan3A_31 = arith.constant 0 : i32
    %scan3A_32 = arith.constant 16 : i32
    %scan3A_33 = arith.addi %scan3A_31, %scan3A_32 : i32
    %scan3A_34 = arith.constant 1 : i32
    scf.for %scan3A_87 = %scan3A_31 to %scan3A_33 step %scan3A_34  : i32 {
      %mul3A_88 = arith.constant 4 : i32
      %mul3A_89 = arith.muli %scan3A_87, %mul3A_88 : i32
      %add3A_90 = arith.constant 0 : i32
      %add3A_91 = arith.addi %mul3A_89, %add3A_90 : i32
      %add3A_92 = arith.constant 2 : i32
      %add3A_93 = arith.addi %add3A_91, %add3A_92 : i32
      %lt3A = arith.constant 64 : i32
      %lt3A_94 = arith.cmpi slt, %add3A_93, %lt3A : i32
      %convert_element_type3A = arith.extui %lt3A_94 : i1 to i32
      %cond3A = arith.constant 0 : i32
      %cond3A_95 = arith.cmpi ne, %convert_element_type3A, %cond3A : i32
      scf.if %cond3A_95 {
        %add3A_265 = arith.constant 2 : i32
        %add3A_266 = arith.addi %add3A_91, %add3A_265 : i32
        %ge3A = arith.constant 4 : i32
        %ge3A_267 = arith.cmpi sge, %add3A_266, %ge3A : i32
        %convert_element_type3A_268 = arith.extui %ge3A_267 : i1 to i32
        %cond3A_269 = arith.constant 0 : i32
        %cond3A_270 = arith.cmpi ne, %convert_element_type3A_268, %cond3A_269 : i32
        scf.if %cond3A_270 {
          %dma_wait3A_289 = arith.constant 2 : i32
          %dma_wait3A_290 = arith.constant 0 : i32
          %dma_wait3A_291 = arith.constant 0 : i32
          %dma_wait3A_292 = tpu.memref_slice %arg8[%dma_wait3A_289, %dma_wait3A_290, %dma_wait3A_291] : memref<4x400x64xf32, #tpu.memory_space<vmem>> -> memref<1x400x64xf32, #tpu.memory_space<vmem>>
          %dma_wait3A_293 = tpu.memref_squeeze %dma_wait3A_292 : memref<1x400x64xf32, #tpu.memory_space<vmem>> -> memref<400x64xf32, #tpu.memory_space<vmem>>
          %dma_wait3A_294 = arith.constant 0 : i32
          %dma_wait3A_295 = tpu.memref_slice %arg5[%mul3A_2, %dma_wait3A_294] : memref<819200x64xf32, #tpu.memory_space<hbm>> -> memref<400x64xf32, #tpu.memory_space<hbm>>
          %dma_wait3A_296 = arith.constant 0 : i32
          %dma_wait3A_297 = tpu.memref_slice %arg5[%mul3A_2, %dma_wait3A_296] : memref<819200x64xf32, #tpu.memory_space<hbm>> -> memref<400x64xf32, #tpu.memory_space<hbm>>
          %dma_wait3A_298 = arith.constant 0 : i32
          %dma_wait3A_299 = arith.constant 0 : i32
          %dma_wait3A_300 = tpu.memref_slice %arg8[%dma_wait3A_289, %dma_wait3A_298, %dma_wait3A_299] : memref<4x400x64xf32, #tpu.memory_space<vmem>> -> memref<1x400x64xf32, #tpu.memory_space<vmem>>
          %dma_wait3A_301 = tpu.memref_squeeze %dma_wait3A_300 : memref<1x400x64xf32, #tpu.memory_space<vmem>> -> memref<400x64xf32, #tpu.memory_space<vmem>>
          tpu.wait_dma2 semaphore(%arg15 : memref<!tpu.dma_semaphore, #tpu.memory_space<semaphore_mem>>) src(%dma_wait3A_301 : memref<400x64xf32, #tpu.memory_space<vmem>>) dst(%dma_wait3A_297 : memref<400x64xf32, #tpu.memory_space<hbm>>)
        } else {
        }
        %add3A_271 = arith.constant 2 : i32
        %add3A_272 = arith.addi %add3A_91, %add3A_271 : i32
        %mul3A_273 = arith.constant 400 : i32
        %mul3A_274 = arith.muli %add3A_272, %mul3A_273 : i32
        %add3A_275 = arith.addi %mul3A_2, %mul3A_274 : i32
        %run_scoped3A_276 = arith.constant 2 : i32
        "tpu.region"() ({
          %run_scoped3A_289 = tpu.sem_alloc : memref<!tpu.dma_semaphore, #tpu.memory_space<semaphore_mem>>
          %dma_start3A_290 = arith.constant 0 : i32
          %dma_start3A_291 = tpu.memref_slice %arg7[%run_scoped3A_276, %dma_start3A_290] : memref<4x400xi32, #tpu.memory_space<vmem>> -> memref<1x400xi32, #tpu.memory_space<vmem>>
          %dma_start3A_292 = tpu.memref_squeeze %dma_start3A_291 : memref<1x400xi32, #tpu.memory_space<vmem>> -> memref<400xi32, #tpu.memory_space<vmem>>
          %dma_start3A_293 = tpu.memref_slice %arg2[%add3A_275] : memref<819200xi32, #tpu.memory_space<hbm>> -> memref<400xi32, #tpu.memory_space<hbm>>
          %dma_start3A_294 = arith.constant 0 : i32
          %dma_start3A_295 = tpu.memref_slice %arg7[%run_scoped3A_276, %dma_start3A_294] : memref<4x400xi32, #tpu.memory_space<vmem>> -> memref<1x400xi32, #tpu.memory_space<vmem>>
          %dma_start3A_296 = tpu.memref_squeeze %dma_start3A_295 : memref<1x400xi32, #tpu.memory_space<vmem>> -> memref<400xi32, #tpu.memory_space<vmem>>
          %dma_start3A_297 = tpu.memref_slice %arg2[%add3A_275] : memref<819200xi32, #tpu.memory_space<hbm>> -> memref<400xi32, #tpu.memory_space<hbm>>
          tpu.enqueue_dma source(%dma_start3A_297 : memref<400xi32, #tpu.memory_space<hbm>>) target(%dma_start3A_296 : memref<400xi32, #tpu.memory_space<vmem>>) target_semaphore(%run_scoped3A_289 : memref<!tpu.dma_semaphore, #tpu.memory_space<semaphore_mem>>)
          %dma_wait3A_298 = arith.constant 0 : i32
          %dma_wait3A_299 = tpu.memref_slice %arg7[%run_scoped3A_276, %dma_wait3A_298] : memref<4x400xi32, #tpu.memory_space<vmem>> -> memref<1x400xi32, #tpu.memory_space<vmem>>
          %dma_wait3A_300 = tpu.memref_squeeze %dma_wait3A_299 : memref<1x400xi32, #tpu.memory_space<vmem>> -> memref<400xi32, #tpu.memory_space<vmem>>
          %dma_wait3A_301 = tpu.memref_slice %arg2[%add3A_275] : memref<819200xi32, #tpu.memory_space<hbm>> -> memref<400xi32, #tpu.memory_space<hbm>>
          %dma_wait3A_302 = arith.constant 0 : i32
          %dma_wait3A_303 = tpu.memref_slice %arg7[%run_scoped3A_276, %dma_wait3A_302] : memref<4x400xi32, #tpu.memory_space<vmem>> -> memref<1x400xi32, #tpu.memory_space<vmem>>
          %dma_wait3A_304 = tpu.memref_squeeze %dma_wait3A_303 : memref<1x400xi32, #tpu.memory_space<vmem>> -> memref<400xi32, #tpu.memory_space<vmem>>
          %dma_wait3A_305 = tpu.memref_slice %arg2[%add3A_275] : memref<819200xi32, #tpu.memory_space<hbm>> -> memref<400xi32, #tpu.memory_space<hbm>>
          tpu.wait_dma2 semaphore(%run_scoped3A_289 : memref<!tpu.dma_semaphore, #tpu.memory_space<semaphore_mem>>) src(%dma_wait3A_305 : memref<400xi32, #tpu.memory_space<hbm>>) dst(%dma_wait3A_304 : memref<400xi32, #tpu.memory_space<vmem>>)
          tpu.yield
        }) : () -> ()
        %dma_start3A_277 = arith.constant 2 : i32
        %dma_start3A_278 = arith.constant 2 : i32
        %dma_start3A_279 = arith.constant 0 : i32
        %dma_start3A_280 = arith.constant 0 : i32
        %dma_start3A_281 = tpu.memref_slice %arg8[%dma_start3A_278, %dma_start3A_279, %dma_start3A_280] : memref<4x400x64xf32, #tpu.memory_space<vmem>> -> memref<1x400x64xf32, #tpu.memory_space<vmem>>
        %dma_start3A_282 = tpu.memref_squeeze %dma_start3A_281 : memref<1x400x64xf32, #tpu.memory_space<vmem>> -> memref<400x64xf32, #tpu.memory_space<vmem>>
        %dma_start3A_283 = arith.constant 0 : i32
        %dma_start3A_284 = tpu.memref_slice %arg7[%dma_start3A_277, %dma_start3A_283] : memref<4x400xi32, #tpu.memory_space<vmem>> -> memref<1x400xi32, #tpu.memory_space<vmem>>
        %dma_start3A_285 = tpu.memref_squeeze %dma_start3A_284 : memref<1x400xi32, #tpu.memory_space<vmem>> -> memref<400xi32, #tpu.memory_space<vmem>>
        %dma_start3A_286 = arith.constant 0 : i32
        %dma_start3A_287 = arith.constant 0 : i32
        %dma_start3A_288 = tpu.memref_slice %arg3[%dma_start3A_286, %dma_start3A_287] : memref<100000x64xf32, #tpu.memory_space<hbm>> -> memref<100000x64xf32, #tpu.memory_space<hbm>>
        tpu.enqueue_indirect_dma source(%dma_start3A_288 : memref<100000x64xf32, #tpu.memory_space<hbm>>) target(%dma_start3A_282 : memref<400x64xf32, #tpu.memory_space<vmem>>) offsets(%dma_start3A_285 : memref<400xi32, #tpu.memory_space<vmem>>) semaphore(%arg11 : memref<!tpu.dma_semaphore, #tpu.memory_space<semaphore_mem>>)
      } else {
      }
      %dma_wait3A_96 = arith.constant 0 : i32
      %dma_wait3A_97 = arith.constant 0 : i32
      %dma_wait3A_98 = arith.constant 0 : i32
      %dma_wait3A_99 = arith.constant 0 : i32
      %dma_wait3A_100 = tpu.memref_slice %arg8[%dma_wait3A_97, %dma_wait3A_98, %dma_wait3A_99] : memref<4x400x64xf32, #tpu.memory_space<vmem>> -> memref<1x400x64xf32, #tpu.memory_space<vmem>>
      %dma_wait3A_101 = tpu.memref_squeeze %dma_wait3A_100 : memref<1x400x64xf32, #tpu.memory_space<vmem>> -> memref<400x64xf32, #tpu.memory_space<vmem>>
      %dma_wait3A_102 = arith.constant 0 : i32
      %dma_wait3A_103 = tpu.memref_slice %arg7[%dma_wait3A_96, %dma_wait3A_102] : memref<4x400xi32, #tpu.memory_space<vmem>> -> memref<1x400xi32, #tpu.memory_space<vmem>>
      %dma_wait3A_104 = tpu.memref_squeeze %dma_wait3A_103 : memref<1x400xi32, #tpu.memory_space<vmem>> -> memref<400xi32, #tpu.memory_space<vmem>>
      %dma_wait3A_105 = arith.constant 0 : i32
      %dma_wait3A_106 = arith.constant 0 : i32
      %dma_wait3A_107 = tpu.memref_slice %arg3[%dma_wait3A_105, %dma_wait3A_106] : memref<100000x64xf32, #tpu.memory_space<hbm>> -> memref<100000x64xf32, #tpu.memory_space<hbm>>
      tpu.wait_indirect_dma semaphore(%arg9 : memref<!tpu.dma_semaphore, #tpu.memory_space<semaphore_mem>>) src(%dma_wait3A_107 : memref<100000x64xf32, #tpu.memory_space<hbm>>) dst(%dma_wait3A_101 : memref<400x64xf32, #tpu.memory_space<vmem>>)
      %scan3A_108 = arith.constant 0 : i32
      %scan3A_109 = arith.constant 0 : i32
      %scan3A_110 = arith.constant 200 : i32
      %scan3A_111 = arith.addi %scan3A_109, %scan3A_110 : i32
      %scan3A_112 = arith.constant 1 : i32
      scf.for %scan3A_265 = %scan3A_109 to %scan3A_111 step %scan3A_112  : i32 {
        %get3A = arith.index_cast %scan3A_265 : i32 to index
        %get3A_266 = arith.constant 0 : index
        %get3A_267 = tpu.vector_load %arg6[%get3A, %get3A_266] {strides = array<i32>} : memref<200x64xf32, #tpu.memory_space<vmem>>, vector<1x16xf32>,
        %get3A_268 = vector.shape_cast %get3A_267 : vector<1x16xf32> to vector<16xf32>
        %add3A_269 = arith.constant 0 : i32
        %add3A_270 = arith.addi %add3A_269, %scan3A_265 : i32
        %get3A_271 = arith.constant 0 : i32
        %get3A_272 = arith.index_cast %get3A_271 : i32 to index
        %get3A_273 = arith.index_cast %add3A_270 : i32 to index
        %get3A_274 = arith.constant 0 : index
        %get3A_275 = tpu.vector_load %arg8[%get3A_272, %get3A_273, %get3A_274] {strides = array<i32>} : memref<4x400x64xf32, #tpu.memory_space<vmem>>, vector<1x1x16xf32>,
        %get3A_276 = vector.shape_cast %get3A_275 : vector<1x1x16xf32> to vector<16xf32>
        %add3A_277 = arith.addf %get3A_276, %get3A_268 : vector<16xf32>
        %swap3A = arith.constant 0 : i32
        %swap3A_278 = arith.index_cast %swap3A : i32 to index
        %swap3A_279 = arith.index_cast %add3A_270 : i32 to index
        %swap3A_280 = arith.constant 0 : index
        %swap3A_281 = tpu.vector_load %arg8[%swap3A_278, %swap3A_279, %swap3A_280] {strides = array<i32>} : memref<4x400x64xf32, #tpu.memory_space<vmem>>, vector<1x1x16xf32>,
        %swap3A_282 = vector.shape_cast %swap3A_281 : vector<1x1x16xf32> to vector<16xf32>
        %swap3A_283 = vector.shape_cast %add3A_277 : vector<16xf32> to vector<1x1x16xf32>
        tpu.vector_store %arg8[%swap3A_278, %swap3A_279, %swap3A_280], %swap3A_283 {strides = array<i32>} : memref<4x400x64xf32, #tpu.memory_space<vmem>>, vector<1x1x16xf32>,
        %add3A_284 = arith.constant 200 : i32
        %add3A_285 = arith.addi %add3A_284, %scan3A_265 : i32
        %get3A_286 = arith.constant 0 : i32
        %get3A_287 = arith.index_cast %get3A_286 : i32 to index
        %get3A_288 = arith.index_cast %add3A_285 : i32 to index
        %get3A_289 = arith.constant 0 : index
        %get3A_290 = tpu.vector_load %arg8[%get3A_287, %get3A_288, %get3A_289] {strides = array<i32>} : memref<4x400x64xf32, #tpu.memory_space<vmem>>, vector<1x1x16xf32>,
        %get3A_291 = vector.shape_cast %get3A_290 : vector<1x1x16xf32> to vector<16xf32>
        %add3A_292 = arith.addf %get3A_291, %get3A_268 : vector<16xf32>
        %swap3A_293 = arith.constant 0 : i32
        %swap3A_294 = arith.index_cast %swap3A_293 : i32 to index
        %swap3A_295 = arith.index_cast %add3A_285 : i32 to index
        %swap3A_296 = arith.constant 0 : index
        %swap3A_297 = tpu.vector_load %arg8[%swap3A_294, %swap3A_295, %swap3A_296] {strides = array<i32>} : memref<4x400x64xf32, #tpu.memory_space<vmem>>, vector<1x1x16xf32>,
        %swap3A_298 = vector.shape_cast %swap3A_297 : vector<1x1x16xf32> to vector<16xf32>
        %swap3A_299 = vector.shape_cast %add3A_292 : vector<16xf32> to vector<1x1x16xf32>
        tpu.vector_store %arg8[%swap3A_294, %swap3A_295, %swap3A_296], %swap3A_299 {strides = array<i32>} : memref<4x400x64xf32, #tpu.memory_space<vmem>>, vector<1x1x16xf32>,
        %get3A_300 = arith.index_cast %scan3A_265 : i32 to index
        %get3A_301 = arith.constant 16 : index
        %get3A_302 = tpu.vector_load %arg6[%get3A_300, %get3A_301] {strides = array<i32>} : memref<200x64xf32, #tpu.memory_space<vmem>>, vector<1x16xf32>,
        %get3A_303 = vector.shape_cast %get3A_302 : vector<1x16xf32> to vector<16xf32>
        %add3A_304 = arith.constant 0 : i32
        %add3A_305 = arith.addi %add3A_304, %scan3A_265 : i32
        %get3A_306 = arith.constant 0 : i32
        %get3A_307 = arith.index_cast %get3A_306 : i32 to index
        %get3A_308 = arith.index_cast %add3A_305 : i32 to index
        %get3A_309 = arith.constant 16 : index
        %get3A_310 = tpu.vector_load %arg8[%get3A_307, %get3A_308, %get3A_309] {strides = array<i32>} : memref<4x400x64xf32, #tpu.memory_space<vmem>>, vector<1x1x16xf32>,
        %get3A_311 = vector.shape_cast %get3A_310 : vector<1x1x16xf32> to vector<16xf32>
        %add3A_312 = arith.addf %get3A_311, %get3A_303 : vector<16xf32>
        %swap3A_313 = arith.constant 0 : i32
        %swap3A_314 = arith.index_cast %swap3A_313 : i32 to index
        %swap3A_315 = arith.index_cast %add3A_305 : i32 to index
        %swap3A_316 = arith.constant 16 : index
        %swap3A_317 = tpu.vector_load %arg8[%swap3A_314, %swap3A_315, %swap3A_316] {strides = array<i32>} : memref<4x400x64xf32, #tpu.memory_space<vmem>>, vector<1x1x16xf32>,
        %swap3A_318 = vector.shape_cast %swap3A_317 : vector<1x1x16xf32> to vector<16xf32>
        %swap3A_319 = vector.shape_cast %add3A_312 : vector<16xf32> to vector<1x1x16xf32>
        tpu.vector_store %arg8[%swap3A_314, %swap3A_315, %swap3A_316], %swap3A_319 {strides = array<i32>} : memref<4x400x64xf32, #tpu.memory_space<vmem>>, vector<1x1x16xf32>,
        %add3A_320 = arith.constant 200 : i32
        %add3A_321 = arith.addi %add3A_320, %scan3A_265 : i32
        %get3A_322 = arith.constant 0 : i32
        %get3A_323 = arith.index_cast %get3A_322 : i32 to index
        %get3A_324 = arith.index_cast %add3A_321 : i32 to index
        %get3A_325 = arith.constant 16 : index
        %get3A_326 = tpu.vector_load %arg8[%get3A_323, %get3A_324, %get3A_325] {strides = array<i32>} : memref<4x400x64xf32, #tpu.memory_space<vmem>>, vector<1x1x16xf32>,
        %get3A_327 = vector.shape_cast %get3A_326 : vector<1x1x16xf32> to vector<16xf32>
        %add3A_328 = arith.addf %get3A_327, %get3A_303 : vector<16xf32>
        %swap3A_329 = arith.constant 0 : i32
        %swap3A_330 = arith.index_cast %swap3A_329 : i32 to index
        %swap3A_331 = arith.index_cast %add3A_321 : i32 to index
        %swap3A_332 = arith.constant 16 : index
        %swap3A_333 = tpu.vector_load %arg8[%swap3A_330, %swap3A_331, %swap3A_332] {strides = array<i32>} : memref<4x400x64xf32, #tpu.memory_space<vmem>>, vector<1x1x16xf32>,
        %swap3A_334 = vector.shape_cast %swap3A_333 : vector<1x1x16xf32> to vector<16xf32>
        %swap3A_335 = vector.shape_cast %add3A_328 : vector<16xf32> to vector<1x1x16xf32>
        tpu.vector_store %arg8[%swap3A_330, %swap3A_331, %swap3A_332], %swap3A_335 {strides = array<i32>} : memref<4x400x64xf32, #tpu.memory_space<vmem>>, vector<1x1x16xf32>,
        %get3A_336 = arith.index_cast %scan3A_265 : i32 to index
        %get3A_337 = arith.constant 32 : index
        %get3A_338 = tpu.vector_load %arg6[%get3A_336, %get3A_337] {strides = array<i32>} : memref<200x64xf32, #tpu.memory_space<vmem>>, vector<1x16xf32>,
        %get3A_339 = vector.shape_cast %get3A_338 : vector<1x16xf32> to vector<16xf32>
        %add3A_340 = arith.constant 0 : i32
        %add3A_341 = arith.addi %add3A_340, %scan3A_265 : i32
        %get3A_342 = arith.constant 0 : i32
        %get3A_343 = arith.index_cast %get3A_342 : i32 to index
        %get3A_344 = arith.index_cast %add3A_341 : i32 to index
        %get3A_345 = arith.constant 32 : index
        %get3A_346 = tpu.vector_load %arg8[%get3A_343, %get3A_344, %get3A_345] {strides = array<i32>} : memref<4x400x64xf32, #tpu.memory_space<vmem>>, vector<1x1x16xf32>,
        %get3A_347 = vector.shape_cast %get3A_346 : vector<1x1x16xf32> to vector<16xf32>
        %add3A_348 = arith.addf %get3A_347, %get3A_339 : vector<16xf32>
        %swap3A_349 = arith.constant 0 : i32
        %swap3A_350 = arith.index_cast %swap3A_349 : i32 to index
        %swap3A_351 = arith.index_cast %add3A_341 : i32 to index
        %swap3A_352 = arith.constant 32 : index
        %swap3A_353 = tpu.vector_load %arg8[%swap3A_350, %swap3A_351, %swap3A_352] {strides = array<i32>} : memref<4x400x64xf32, #tpu.memory_space<vmem>>, vector<1x1x16xf32>,
        %swap3A_354 = vector.shape_cast %swap3A_353 : vector<1x1x16xf32> to vector<16xf32>
        %swap3A_355 = vector.shape_cast %add3A_348 : vector<16xf32> to vector<1x1x16xf32>
        tpu.vector_store %arg8[%swap3A_350, %swap3A_351, %swap3A_352], %swap3A_355 {strides = array<i32>} : memref<4x400x64xf32, #tpu.memory_space<vmem>>, vector<1x1x16xf32>,
        %add3A_356 = arith.constant 200 : i32
        %add3A_357 = arith.addi %add3A_356, %scan3A_265 : i32
        %get3A_358 = arith.constant 0 : i32
        %get3A_359 = arith.index_cast %get3A_358 : i32 to index
        %get3A_360 = arith.index_cast %add3A_357 : i32 to index
        %get3A_361 = arith.constant 32 : index
        %get3A_362 = tpu.vector_load %arg8[%get3A_359, %get3A_360, %get3A_361] {strides = array<i32>} : memref<4x400x64xf32, #tpu.memory_space<vmem>>, vector<1x1x16xf32>,
        %get3A_363 = vector.shape_cast %get3A_362 : vector<1x1x16xf32> to vector<16xf32>
        %add3A_364 = arith.addf %get3A_363, %get3A_339 : vector<16xf32>
        %swap3A_365 = arith.constant 0 : i32
        %swap3A_366 = arith.index_cast %swap3A_365 : i32 to index
        %swap3A_367 = arith.index_cast %add3A_357 : i32 to index
        %swap3A_368 = arith.constant 32 : index
        %swap3A_369 = tpu.vector_load %arg8[%swap3A_366, %swap3A_367, %swap3A_368] {strides = array<i32>} : memref<4x400x64xf32, #tpu.memory_space<vmem>>, vector<1x1x16xf32>,
        %swap3A_370 = vector.shape_cast %swap3A_369 : vector<1x1x16xf32> to vector<16xf32>
        %swap3A_371 = vector.shape_cast %add3A_364 : vector<16xf32> to vector<1x1x16xf32>
        tpu.vector_store %arg8[%swap3A_366, %swap3A_367, %swap3A_368], %swap3A_371 {strides = array<i32>} : memref<4x400x64xf32, #tpu.memory_space<vmem>>, vector<1x1x16xf32>,
        %get3A_372 = arith.index_cast %scan3A_265 : i32 to index
        %get3A_373 = arith.constant 48 : index
        %get3A_374 = tpu.vector_load %arg6[%get3A_372, %get3A_373] {strides = array<i32>} : memref<200x64xf32, #tpu.memory_space<vmem>>, vector<1x16xf32>,
        %get3A_375 = vector.shape_cast %get3A_374 : vector<1x16xf32> to vector<16xf32>
        %add3A_376 = arith.constant 0 : i32
        %add3A_377 = arith.addi %add3A_376, %scan3A_265 : i32
        %get3A_378 = arith.constant 0 : i32
        %get3A_379 = arith.index_cast %get3A_378 : i32 to index
        %get3A_380 = arith.index_cast %add3A_377 : i32 to index
        %get3A_381 = arith.constant 48 : index
        %get3A_382 = tpu.vector_load %arg8[%get3A_379, %get3A_380, %get3A_381] {strides = array<i32>} : memref<4x400x64xf32, #tpu.memory_space<vmem>>, vector<1x1x16xf32>,
        %get3A_383 = vector.shape_cast %get3A_382 : vector<1x1x16xf32> to vector<16xf32>
        %add3A_384 = arith.addf %get3A_383, %get3A_375 : vector<16xf32>
        %swap3A_385 = arith.constant 0 : i32
        %swap3A_386 = arith.index_cast %swap3A_385 : i32 to index
        %swap3A_387 = arith.index_cast %add3A_377 : i32 to index
        %swap3A_388 = arith.constant 48 : index
        %swap3A_389 = tpu.vector_load %arg8[%swap3A_386, %swap3A_387, %swap3A_388] {strides = array<i32>} : memref<4x400x64xf32, #tpu.memory_space<vmem>>, vector<1x1x16xf32>,
        %swap3A_390 = vector.shape_cast %swap3A_389 : vector<1x1x16xf32> to vector<16xf32>
        %swap3A_391 = vector.shape_cast %add3A_384 : vector<16xf32> to vector<1x1x16xf32>
        tpu.vector_store %arg8[%swap3A_386, %swap3A_387, %swap3A_388], %swap3A_391 {strides = array<i32>} : memref<4x400x64xf32, #tpu.memory_space<vmem>>, vector<1x1x16xf32>,
        %add3A_392 = arith.constant 200 : i32
        %add3A_393 = arith.addi %add3A_392, %scan3A_265 : i32
        %get3A_394 = arith.constant 0 : i32
        %get3A_395 = arith.index_cast %get3A_394 : i32 to index
        %get3A_396 = arith.index_cast %add3A_393 : i32 to index
        %get3A_397 = arith.constant 48 : index
        %get3A_398 = tpu.vector_load %arg8[%get3A_395, %get3A_396, %get3A_397] {strides = array<i32>} : memref<4x400x64xf32, #tpu.memory_space<vmem>>, vector<1x1x16xf32>,
        %get3A_399 = vector.shape_cast %get3A_398 : vector<1x1x16xf32> to vector<16xf32>
        %add3A_400 = arith.addf %get3A_399, %get3A_375 : vector<16xf32>
        %swap3A_401 = arith.constant 0 : i32
        %swap3A_402 = arith.index_cast %swap3A_401 : i32 to index
        %swap3A_403 = arith.index_cast %add3A_393 : i32 to index
        %swap3A_404 = arith.constant 48 : index
        %swap3A_405 = tpu.vector_load %arg8[%swap3A_402, %swap3A_403, %swap3A_404] {strides = array<i32>} : memref<4x400x64xf32, #tpu.memory_space<vmem>>, vector<1x1x16xf32>,
        %swap3A_406 = vector.shape_cast %swap3A_405 : vector<1x1x16xf32> to vector<16xf32>
        %swap3A_407 = vector.shape_cast %add3A_400 : vector<16xf32> to vector<1x1x16xf32>
        tpu.vector_store %arg8[%swap3A_402, %swap3A_403, %swap3A_404], %swap3A_407 {strides = array<i32>} : memref<4x400x64xf32, #tpu.memory_space<vmem>>, vector<1x1x16xf32>,
      }
      %scan3A_113 = arith.constant 200 : i32
      %mul3A_114 = arith.constant 400 : i32
      %mul3A_115 = arith.muli %add3A_91, %mul3A_114 : i32
      %add3A_116 = arith.addi %mul3A_2, %mul3A_115 : i32
      %dma_start3A_117 = arith.constant 0 : i32
      %dma_start3A_118 = arith.constant 0 : i32
      %dma_start3A_119 = arith.constant 0 : i32
      %dma_start3A_120 = tpu.memref_slice %arg8[%dma_start3A_117, %dma_start3A_118, %dma_start3A_119] : memref<4x400x64xf32, #tpu.memory_space<vmem>> -> memref<1x400x64xf32, #tpu.memory_space<vmem>>
      %dma_start3A_121 = tpu.memref_squeeze %dma_start3A_120 : memref<1x400x64xf32, #tpu.memory_space<vmem>> -> memref<400x64xf32, #tpu.memory_space<vmem>>
      %dma_start3A_122 = arith.constant 0 : i32
      %dma_start3A_123 = tpu.memref_slice %arg5[%add3A_116, %dma_start3A_122] : memref<819200x64xf32, #tpu.memory_space<hbm>> -> memref<400x64xf32, #tpu.memory_space<hbm>>
      %dma_start3A_124 = arith.constant 0 : i32
      %dma_start3A_125 = tpu.memref_slice %arg5[%add3A_116, %dma_start3A_124] : memref<819200x64xf32, #tpu.memory_space<hbm>> -> memref<400x64xf32, #tpu.memory_space<hbm>>
      %dma_start3A_126 = arith.constant 0 : i32
      %dma_start3A_127 = arith.constant 0 : i32
      %dma_start3A_128 = tpu.memref_slice %arg8[%dma_start3A_117, %dma_start3A_126, %dma_start3A_127] : memref<4x400x64xf32, #tpu.memory_space<vmem>> -> memref<1x400x64xf32, #tpu.memory_space<vmem>>
      %dma_start3A_129 = tpu.memref_squeeze %dma_start3A_128 : memref<1x400x64xf32, #tpu.memory_space<vmem>> -> memref<400x64xf32, #tpu.memory_space<vmem>>
      tpu.enqueue_dma source(%dma_start3A_129 : memref<400x64xf32, #tpu.memory_space<vmem>>) target(%dma_start3A_125 : memref<400x64xf32, #tpu.memory_space<hbm>>) target_semaphore(%arg13 : memref<!tpu.dma_semaphore, #tpu.memory_space<semaphore_mem>>)
      %mul3A_130 = arith.constant 4 : i32
      %mul3A_131 = arith.muli %scan3A_87, %mul3A_130 : i32
      %add3A_132 = arith.constant 1 : i32
      %add3A_133 = arith.addi %mul3A_131, %add3A_132 : i32
      %add3A_134 = arith.constant 2 : i32
      %add3A_135 = arith.addi %add3A_133, %add3A_134 : i32
      %lt3A_136 = arith.constant 64 : i32
      %lt3A_137 = arith.cmpi slt, %add3A_135, %lt3A_136 : i32
      %convert_element_type3A_138 = arith.extui %lt3A_137 : i1 to i32
      %cond3A_139 = arith.constant 0 : i32
      %cond3A_140 = arith.cmpi ne, %convert_element_type3A_138, %cond3A_139 : i32
      scf.if %cond3A_140 {
        %add3A_265 = arith.constant 2 : i32
        %add3A_266 = arith.addi %add3A_133, %add3A_265 : i32
        %ge3A = arith.constant 4 : i32
        %ge3A_267 = arith.cmpi sge, %add3A_266, %ge3A : i32
        %convert_element_type3A_268 = arith.extui %ge3A_267 : i1 to i32
        %cond3A_269 = arith.constant 0 : i32
        %cond3A_270 = arith.cmpi ne, %convert_element_type3A_268, %cond3A_269 : i32
        scf.if %cond3A_270 {
          %dma_wait3A_289 = arith.constant 3 : i32
          %dma_wait3A_290 = arith.constant 0 : i32
          %dma_wait3A_291 = arith.constant 0 : i32
          %dma_wait3A_292 = tpu.memref_slice %arg8[%dma_wait3A_289, %dma_wait3A_290, %dma_wait3A_291] : memref<4x400x64xf32, #tpu.memory_space<vmem>> -> memref<1x400x64xf32, #tpu.memory_space<vmem>>
          %dma_wait3A_293 = tpu.memref_squeeze %dma_wait3A_292 : memref<1x400x64xf32, #tpu.memory_space<vmem>> -> memref<400x64xf32, #tpu.memory_space<vmem>>
          %dma_wait3A_294 = arith.constant 0 : i32
          %dma_wait3A_295 = tpu.memref_slice %arg5[%mul3A_2, %dma_wait3A_294] : memref<819200x64xf32, #tpu.memory_space<hbm>> -> memref<400x64xf32, #tpu.memory_space<hbm>>
          %dma_wait3A_296 = arith.constant 0 : i32
          %dma_wait3A_297 = tpu.memref_slice %arg5[%mul3A_2, %dma_wait3A_296] : memref<819200x64xf32, #tpu.memory_space<hbm>> -> memref<400x64xf32, #tpu.memory_space<hbm>>
          %dma_wait3A_298 = arith.constant 0 : i32
          %dma_wait3A_299 = arith.constant 0 : i32
          %dma_wait3A_300 = tpu.memref_slice %arg8[%dma_wait3A_289, %dma_wait3A_298, %dma_wait3A_299] : memref<4x400x64xf32, #tpu.memory_space<vmem>> -> memref<1x400x64xf32, #tpu.memory_space<vmem>>
          %dma_wait3A_301 = tpu.memref_squeeze %dma_wait3A_300 : memref<1x400x64xf32, #tpu.memory_space<vmem>> -> memref<400x64xf32, #tpu.memory_space<vmem>>
          tpu.wait_dma2 semaphore(%arg16 : memref<!tpu.dma_semaphore, #tpu.memory_space<semaphore_mem>>) src(%dma_wait3A_301 : memref<400x64xf32, #tpu.memory_space<vmem>>) dst(%dma_wait3A_297 : memref<400x64xf32, #tpu.memory_space<hbm>>)
        } else {
        }
        %add3A_271 = arith.constant 2 : i32
        %add3A_272 = arith.addi %add3A_133, %add3A_271 : i32
        %mul3A_273 = arith.constant 400 : i32
        %mul3A_274 = arith.muli %add3A_272, %mul3A_273 : i32
        %add3A_275 = arith.addi %mul3A_2, %mul3A_274 : i32
        %run_scoped3A_276 = arith.constant 3 : i32
        "tpu.region"() ({
          %run_scoped3A_289 = tpu.sem_alloc : memref<!tpu.dma_semaphore, #tpu.memory_space<semaphore_mem>>
          %dma_start3A_290 = arith.constant 0 : i32
          %dma_start3A_291 = tpu.memref_slice %arg7[%run_scoped3A_276, %dma_start3A_290] : memref<4x400xi32, #tpu.memory_space<vmem>> -> memref<1x400xi32, #tpu.memory_space<vmem>>
          %dma_start3A_292 = tpu.memref_squeeze %dma_start3A_291 : memref<1x400xi32, #tpu.memory_space<vmem>> -> memref<400xi32, #tpu.memory_space<vmem>>
          %dma_start3A_293 = tpu.memref_slice %arg2[%add3A_275] : memref<819200xi32, #tpu.memory_space<hbm>> -> memref<400xi32, #tpu.memory_space<hbm>>
          %dma_start3A_294 = arith.constant 0 : i32
          %dma_start3A_295 = tpu.memref_slice %arg7[%run_scoped3A_276, %dma_start3A_294] : memref<4x400xi32, #tpu.memory_space<vmem>> -> memref<1x400xi32, #tpu.memory_space<vmem>>
          %dma_start3A_296 = tpu.memref_squeeze %dma_start3A_295 : memref<1x400xi32, #tpu.memory_space<vmem>> -> memref<400xi32, #tpu.memory_space<vmem>>
          %dma_start3A_297 = tpu.memref_slice %arg2[%add3A_275] : memref<819200xi32, #tpu.memory_space<hbm>> -> memref<400xi32, #tpu.memory_space<hbm>>
          tpu.enqueue_dma source(%dma_start3A_297 : memref<400xi32, #tpu.memory_space<hbm>>) target(%dma_start3A_296 : memref<400xi32, #tpu.memory_space<vmem>>) target_semaphore(%run_scoped3A_289 : memref<!tpu.dma_semaphore, #tpu.memory_space<semaphore_mem>>)
          %dma_wait3A_298 = arith.constant 0 : i32
          %dma_wait3A_299 = tpu.memref_slice %arg7[%run_scoped3A_276, %dma_wait3A_298] : memref<4x400xi32, #tpu.memory_space<vmem>> -> memref<1x400xi32, #tpu.memory_space<vmem>>
          %dma_wait3A_300 = tpu.memref_squeeze %dma_wait3A_299 : memref<1x400xi32, #tpu.memory_space<vmem>> -> memref<400xi32, #tpu.memory_space<vmem>>
          %dma_wait3A_301 = tpu.memref_slice %arg2[%add3A_275] : memref<819200xi32, #tpu.memory_space<hbm>> -> memref<400xi32, #tpu.memory_space<hbm>>
          %dma_wait3A_302 = arith.constant 0 : i32
          %dma_wait3A_303 = tpu.memref_slice %arg7[%run_scoped3A_276, %dma_wait3A_302] : memref<4x400xi32, #tpu.memory_space<vmem>> -> memref<1x400xi32, #tpu.memory_space<vmem>>
          %dma_wait3A_304 = tpu.memref_squeeze %dma_wait3A_303 : memref<1x400xi32, #tpu.memory_space<vmem>> -> memref<400xi32, #tpu.memory_space<vmem>>
          %dma_wait3A_305 = tpu.memref_slice %arg2[%add3A_275] : memref<819200xi32, #tpu.memory_space<hbm>> -> memref<400xi32, #tpu.memory_space<hbm>>
          tpu.wait_dma2 semaphore(%run_scoped3A_289 : memref<!tpu.dma_semaphore, #tpu.memory_space<semaphore_mem>>) src(%dma_wait3A_305 : memref<400xi32, #tpu.memory_space<hbm>>) dst(%dma_wait3A_304 : memref<400xi32, #tpu.memory_space<vmem>>)
          tpu.yield
        }) : () -> ()
        %dma_start3A_277 = arith.constant 3 : i32
        %dma_start3A_278 = arith.constant 3 : i32
        %dma_start3A_279 = arith.constant 0 : i32
        %dma_start3A_280 = arith.constant 0 : i32
        %dma_start3A_281 = tpu.memref_slice %arg8[%dma_start3A_278, %dma_start3A_279, %dma_start3A_280] : memref<4x400x64xf32, #tpu.memory_space<vmem>> -> memref<1x400x64xf32, #tpu.memory_space<vmem>>
        %dma_start3A_282 = tpu.memref_squeeze %dma_start3A_281 : memref<1x400x64xf32, #tpu.memory_space<vmem>> -> memref<400x64xf32, #tpu.memory_space<vmem>>
        %dma_start3A_283 = arith.constant 0 : i32
        %dma_start3A_284 = tpu.memref_slice %arg7[%dma_start3A_277, %dma_start3A_283] : memref<4x400xi32, #tpu.memory_space<vmem>> -> memref<1x400xi32, #tpu.memory_space<vmem>>
        %dma_start3A_285 = tpu.memref_squeeze %dma_start3A_284 : memref<1x400xi32, #tpu.memory_space<vmem>> -> memref<400xi32, #tpu.memory_space<vmem>>
        %dma_start3A_286 = arith.constant 0 : i32
        %dma_start3A_287 = arith.constant 0 : i32
        %dma_start3A_288 = tpu.memref_slice %arg3[%dma_start3A_286, %dma_start3A_287] : memref<100000x64xf32, #tpu.memory_space<hbm>> -> memref<100000x64xf32, #tpu.memory_space<hbm>>
        tpu.enqueue_indirect_dma source(%dma_start3A_288 : memref<100000x64xf32, #tpu.memory_space<hbm>>) target(%dma_start3A_282 : memref<400x64xf32, #tpu.memory_space<vmem>>) offsets(%dma_start3A_285 : memref<400xi32, #tpu.memory_space<vmem>>) semaphore(%arg12 : memref<!tpu.dma_semaphore, #tpu.memory_space<semaphore_mem>>)
      } else {
      }
      %dma_wait3A_141 = arith.constant 1 : i32
      %dma_wait3A_142 = arith.constant 1 : i32
      %dma_wait3A_143 = arith.constant 0 : i32
      %dma_wait3A_144 = arith.constant 0 : i32
      %dma_wait3A_145 = tpu.memref_slice %arg8[%dma_wait3A_142, %dma_wait3A_143, %dma_wait3A_144] : memref<4x400x64xf32, #tpu.memory_space<vmem>> -> memref<1x400x64xf32, #tpu.memory_space<vmem>>
      %dma_wait3A_146 = tpu.memref_squeeze %dma_wait3A_145 : memref<1x400x64xf32, #tpu.memory_space<vmem>> -> memref<400x64xf32, #tpu.memory_space<vmem>>
      %dma_wait3A_147 = arith.constant 0 : i32
      %dma_wait3A_148 = tpu.memref_slice %arg7[%dma_wait3A_141, %dma_wait3A_147] : memref<4x400xi32, #tpu.memory_space<vmem>> -> memref<1x400xi32, #tpu.memory_space<vmem>>
      %dma_wait3A_149 = tpu.memref_squeeze %dma_wait3A_148 : memref<1x400xi32, #tpu.memory_space<vmem>> -> memref<400xi32, #tpu.memory_space<vmem>>
      %dma_wait3A_150 = arith.constant 0 : i32
      %dma_wait3A_151 = arith.constant 0 : i32
      %dma_wait3A_152 = tpu.memref_slice %arg3[%dma_wait3A_150, %dma_wait3A_151] : memref<100000x64xf32, #tpu.memory_space<hbm>> -> memref<100000x64xf32, #tpu.memory_space<hbm>>
      tpu.wait_indirect_dma semaphore(%arg10 : memref<!tpu.dma_semaphore, #tpu.memory_space<semaphore_mem>>) src(%dma_wait3A_152 : memref<100000x64xf32, #tpu.memory_space<hbm>>) dst(%dma_wait3A_146 : memref<400x64xf32, #tpu.memory_space<vmem>>)
      %scan3A_153 = arith.constant 0 : i32
      %scan3A_154 = arith.constant 0 : i32
      %scan3A_155 = arith.constant 200 : i32
      %scan3A_156 = arith.addi %scan3A_154, %scan3A_155 : i32
      %scan3A_157 = arith.constant 1 : i32
      scf.for %scan3A_265 = %scan3A_154 to %scan3A_156 step %scan3A_157  : i32 {
        %get3A = arith.index_cast %scan3A_265 : i32 to index
        %get3A_266 = arith.constant 0 : index
        %get3A_267 = tpu.vector_load %arg6[%get3A, %get3A_266] {strides = array<i32>} : memref<200x64xf32, #tpu.memory_space<vmem>>, vector<1x16xf32>,
        %get3A_268 = vector.shape_cast %get3A_267 : vector<1x16xf32> to vector<16xf32>
        %add3A_269 = arith.constant 0 : i32
        %add3A_270 = arith.addi %add3A_269, %scan3A_265 : i32
        %get3A_271 = arith.constant 1 : i32
        %get3A_272 = arith.index_cast %get3A_271 : i32 to index
        %get3A_273 = arith.index_cast %add3A_270 : i32 to index
        %get3A_274 = arith.constant 0 : index
        %get3A_275 = tpu.vector_load %arg8[%get3A_272, %get3A_273, %get3A_274] {strides = array<i32>} : memref<4x400x64xf32, #tpu.memory_space<vmem>>, vector<1x1x16xf32>,
        %get3A_276 = vector.shape_cast %get3A_275 : vector<1x1x16xf32> to vector<16xf32>
        %add3A_277 = arith.addf %get3A_276, %get3A_268 : vector<16xf32>
        %swap3A = arith.constant 1 : i32
        %swap3A_278 = arith.index_cast %swap3A : i32 to index
        %swap3A_279 = arith.index_cast %add3A_270 : i32 to index
        %swap3A_280 = arith.constant 0 : index
        %swap3A_281 = tpu.vector_load %arg8[%swap3A_278, %swap3A_279, %swap3A_280] {strides = array<i32>} : memref<4x400x64xf32, #tpu.memory_space<vmem>>, vector<1x1x16xf32>,
        %swap3A_282 = vector.shape_cast %swap3A_281 : vector<1x1x16xf32> to vector<16xf32>
        %swap3A_283 = vector.shape_cast %add3A_277 : vector<16xf32> to vector<1x1x16xf32>
        tpu.vector_store %arg8[%swap3A_278, %swap3A_279, %swap3A_280], %swap3A_283 {strides = array<i32>} : memref<4x400x64xf32, #tpu.memory_space<vmem>>, vector<1x1x16xf32>,
        %add3A_284 = arith.constant 200 : i32
        %add3A_285 = arith.addi %add3A_284, %scan3A_265 : i32
        %get3A_286 = arith.constant 1 : i32
        %get3A_287 = arith.index_cast %get3A_286 : i32 to index
        %get3A_288 = arith.index_cast %add3A_285 : i32 to index
        %get3A_289 = arith.constant 0 : index
        %get3A_290 = tpu.vector_load %arg8[%get3A_287, %get3A_288, %get3A_289] {strides = array<i32>} : memref<4x400x64xf32, #tpu.memory_space<vmem>>, vector<1x1x16xf32>,
        %get3A_291 = vector.shape_cast %get3A_290 : vector<1x1x16xf32> to vector<16xf32>
        %add3A_292 = arith.addf %get3A_291, %get3A_268 : vector<16xf32>
        %swap3A_293 = arith.constant 1 : i32
        %swap3A_294 = arith.index_cast %swap3A_293 : i32 to index
        %swap3A_295 = arith.index_cast %add3A_285 : i32 to index
        %swap3A_296 = arith.constant 0 : index
        %swap3A_297 = tpu.vector_load %arg8[%swap3A_294, %swap3A_295, %swap3A_296] {strides = array<i32>} : memref<4x400x64xf32, #tpu.memory_space<vmem>>, vector<1x1x16xf32>,
        %swap3A_298 = vector.shape_cast %swap3A_297 : vector<1x1x16xf32> to vector<16xf32>
        %swap3A_299 = vector.shape_cast %add3A_292 : vector<16xf32> to vector<1x1x16xf32>
        tpu.vector_store %arg8[%swap3A_294, %swap3A_295, %swap3A_296], %swap3A_299 {strides = array<i32>} : memref<4x400x64xf32, #tpu.memory_space<vmem>>, vector<1x1x16xf32>,
        %get3A_300 = arith.index_cast %scan3A_265 : i32 to index
        %get3A_301 = arith.constant 16 : index
        %get3A_302 = tpu.vector_load %arg6[%get3A_300, %get3A_301] {strides = array<i32>} : memref<200x64xf32, #tpu.memory_space<vmem>>, vector<1x16xf32>,
        %get3A_303 = vector.shape_cast %get3A_302 : vector<1x16xf32> to vector<16xf32>
        %add3A_304 = arith.constant 0 : i32
        %add3A_305 = arith.addi %add3A_304, %scan3A_265 : i32
        %get3A_306 = arith.constant 1 : i32
        %get3A_307 = arith.index_cast %get3A_306 : i32 to index
        %get3A_308 = arith.index_cast %add3A_305 : i32 to index
        %get3A_309 = arith.constant 16 : index
        %get3A_310 = tpu.vector_load %arg8[%get3A_307, %get3A_308, %get3A_309] {strides = array<i32>} : memref<4x400x64xf32, #tpu.memory_space<vmem>>, vector<1x1x16xf32>,
        %get3A_311 = vector.shape_cast %get3A_310 : vector<1x1x16xf32> to vector<16xf32>
        %add3A_312 = arith.addf %get3A_311, %get3A_303 : vector<16xf32>
        %swap3A_313 = arith.constant 1 : i32
        %swap3A_314 = arith.index_cast %swap3A_313 : i32 to index
        %swap3A_315 = arith.index_cast %add3A_305 : i32 to index
        %swap3A_316 = arith.constant 16 : index
        %swap3A_317 = tpu.vector_load %arg8[%swap3A_314, %swap3A_315, %swap3A_316] {strides = array<i32>} : memref<4x400x64xf32, #tpu.memory_space<vmem>>, vector<1x1x16xf32>,
        %swap3A_318 = vector.shape_cast %swap3A_317 : vector<1x1x16xf32> to vector<16xf32>
        %swap3A_319 = vector.shape_cast %add3A_312 : vector<16xf32> to vector<1x1x16xf32>
        tpu.vector_store %arg8[%swap3A_314, %swap3A_315, %swap3A_316], %swap3A_319 {strides = array<i32>} : memref<4x400x64xf32, #tpu.memory_space<vmem>>, vector<1x1x16xf32>,
        %add3A_320 = arith.constant 200 : i32
        %add3A_321 = arith.addi %add3A_320, %scan3A_265 : i32
        %get3A_322 = arith.constant 1 : i32
        %get3A_323 = arith.index_cast %get3A_322 : i32 to index
        %get3A_324 = arith.index_cast %add3A_321 : i32 to index
        %get3A_325 = arith.constant 16 : index
        %get3A_326 = tpu.vector_load %arg8[%get3A_323, %get3A_324, %get3A_325] {strides = array<i32>} : memref<4x400x64xf32, #tpu.memory_space<vmem>>, vector<1x1x16xf32>,
        %get3A_327 = vector.shape_cast %get3A_326 : vector<1x1x16xf32> to vector<16xf32>
        %add3A_328 = arith.addf %get3A_327, %get3A_303 : vector<16xf32>
        %swap3A_329 = arith.constant 1 : i32
        %swap3A_330 = arith.index_cast %swap3A_329 : i32 to index
        %swap3A_331 = arith.index_cast %add3A_321 : i32 to index
        %swap3A_332 = arith.constant 16 : index
        %swap3A_333 = tpu.vector_load %arg8[%swap3A_330, %swap3A_331, %swap3A_332] {strides = array<i32>} : memref<4x400x64xf32, #tpu.memory_space<vmem>>, vector<1x1x16xf32>,
        %swap3A_334 = vector.shape_cast %swap3A_333 : vector<1x1x16xf32> to vector<16xf32>
        %swap3A_335 = vector.shape_cast %add3A_328 : vector<16xf32> to vector<1x1x16xf32>
        tpu.vector_store %arg8[%swap3A_330, %swap3A_331, %swap3A_332], %swap3A_335 {strides = array<i32>} : memref<4x400x64xf32, #tpu.memory_space<vmem>>, vector<1x1x16xf32>,
        %get3A_336 = arith.index_cast %scan3A_265 : i32 to index
        %get3A_337 = arith.constant 32 : index
        %get3A_338 = tpu.vector_load %arg6[%get3A_336, %get3A_337] {strides = array<i32>} : memref<200x64xf32, #tpu.memory_space<vmem>>, vector<1x16xf32>,
        %get3A_339 = vector.shape_cast %get3A_338 : vector<1x16xf32> to vector<16xf32>
        %add3A_340 = arith.constant 0 : i32
        %add3A_341 = arith.addi %add3A_340, %scan3A_265 : i32
        %get3A_342 = arith.constant 1 : i32
        %get3A_343 = arith.index_cast %get3A_342 : i32 to index
        %get3A_344 = arith.index_cast %add3A_341 : i32 to index
        %get3A_345 = arith.constant 32 : index
        %get3A_346 = tpu.vector_load %arg8[%get3A_343, %get3A_344, %get3A_345] {strides = array<i32>} : memref<4x400x64xf32, #tpu.memory_space<vmem>>, vector<1x1x16xf32>,
        %get3A_347 = vector.shape_cast %get3A_346 : vector<1x1x16xf32> to vector<16xf32>
        %add3A_348 = arith.addf %get3A_347, %get3A_339 : vector<16xf32>
        %swap3A_349 = arith.constant 1 : i32
        %swap3A_350 = arith.index_cast %swap3A_349 : i32 to index
        %swap3A_351 = arith.index_cast %add3A_341 : i32 to index
        %swap3A_352 = arith.constant 32 : index
        %swap3A_353 = tpu.vector_load %arg8[%swap3A_350, %swap3A_351, %swap3A_352] {strides = array<i32>} : memref<4x400x64xf32, #tpu.memory_space<vmem>>, vector<1x1x16xf32>,
        %swap3A_354 = vector.shape_cast %swap3A_353 : vector<1x1x16xf32> to vector<16xf32>
        %swap3A_355 = vector.shape_cast %add3A_348 : vector<16xf32> to vector<1x1x16xf32>
        tpu.vector_store %arg8[%swap3A_350, %swap3A_351, %swap3A_352], %swap3A_355 {strides = array<i32>} : memref<4x400x64xf32, #tpu.memory_space<vmem>>, vector<1x1x16xf32>,
        %add3A_356 = arith.constant 200 : i32
        %add3A_357 = arith.addi %add3A_356, %scan3A_265 : i32
        %get3A_358 = arith.constant 1 : i32
        %get3A_359 = arith.index_cast %get3A_358 : i32 to index
        %get3A_360 = arith.index_cast %add3A_357 : i32 to index
        %get3A_361 = arith.constant 32 : index
        %get3A_362 = tpu.vector_load %arg8[%get3A_359, %get3A_360, %get3A_361] {strides = array<i32>} : memref<4x400x64xf32, #tpu.memory_space<vmem>>, vector<1x1x16xf32>,
        %get3A_363 = vector.shape_cast %get3A_362 : vector<1x1x16xf32> to vector<16xf32>
        %add3A_364 = arith.addf %get3A_363, %get3A_339 : vector<16xf32>
        %swap3A_365 = arith.constant 1 : i32
        %swap3A_366 = arith.index_cast %swap3A_365 : i32 to index
        %swap3A_367 = arith.index_cast %add3A_357 : i32 to index
        %swap3A_368 = arith.constant 32 : index
        %swap3A_369 = tpu.vector_load %arg8[%swap3A_366, %swap3A_367, %swap3A_368] {strides = array<i32>} : memref<4x400x64xf32, #tpu.memory_space<vmem>>, vector<1x1x16xf32>,
        %swap3A_370 = vector.shape_cast %swap3A_369 : vector<1x1x16xf32> to vector<16xf32>
        %swap3A_371 = vector.shape_cast %add3A_364 : vector<16xf32> to vector<1x1x16xf32>
        tpu.vector_store %arg8[%swap3A_366, %swap3A_367, %swap3A_368], %swap3A_371 {strides = array<i32>} : memref<4x400x64xf32, #tpu.memory_space<vmem>>, vector<1x1x16xf32>,
        %get3A_372 = arith.index_cast %scan3A_265 : i32 to index
        %get3A_373 = arith.constant 48 : index
        %get3A_374 = tpu.vector_load %arg6[%get3A_372, %get3A_373] {strides = array<i32>} : memref<200x64xf32, #tpu.memory_space<vmem>>, vector<1x16xf32>,
        %get3A_375 = vector.shape_cast %get3A_374 : vector<1x16xf32> to vector<16xf32>
        %add3A_376 = arith.constant 0 : i32
        %add3A_377 = arith.addi %add3A_376, %scan3A_265 : i32
        %get3A_378 = arith.constant 1 : i32
        %get3A_379 = arith.index_cast %get3A_378 : i32 to index
        %get3A_380 = arith.index_cast %add3A_377 : i32 to index
        %get3A_381 = arith.constant 48 : index
        %get3A_382 = tpu.vector_load %arg8[%get3A_379, %get3A_380, %get3A_381] {strides = array<i32>} : memref<4x400x64xf32, #tpu.memory_space<vmem>>, vector<1x1x16xf32>,
        %get3A_383 = vector.shape_cast %get3A_382 : vector<1x1x16xf32> to vector<16xf32>
        %add3A_384 = arith.addf %get3A_383, %get3A_375 : vector<16xf32>
        %swap3A_385 = arith.constant 1 : i32
        %swap3A_386 = arith.index_cast %swap3A_385 : i32 to index
        %swap3A_387 = arith.index_cast %add3A_377 : i32 to index
        %swap3A_388 = arith.constant 48 : index
        %swap3A_389 = tpu.vector_load %arg8[%swap3A_386, %swap3A_387, %swap3A_388] {strides = array<i32>} : memref<4x400x64xf32, #tpu.memory_space<vmem>>, vector<1x1x16xf32>,
        %swap3A_390 = vector.shape_cast %swap3A_389 : vector<1x1x16xf32> to vector<16xf32>
        %swap3A_391 = vector.shape_cast %add3A_384 : vector<16xf32> to vector<1x1x16xf32>
        tpu.vector_store %arg8[%swap3A_386, %swap3A_387, %swap3A_388], %swap3A_391 {strides = array<i32>} : memref<4x400x64xf32, #tpu.memory_space<vmem>>, vector<1x1x16xf32>,
        %add3A_392 = arith.constant 200 : i32
        %add3A_393 = arith.addi %add3A_392, %scan3A_265 : i32
        %get3A_394 = arith.constant 1 : i32
        %get3A_395 = arith.index_cast %get3A_394 : i32 to index
        %get3A_396 = arith.index_cast %add3A_393 : i32 to index
        %get3A_397 = arith.constant 48 : index
        %get3A_398 = tpu.vector_load %arg8[%get3A_395, %get3A_396, %get3A_397] {strides = array<i32>} : memref<4x400x64xf32, #tpu.memory_space<vmem>>, vector<1x1x16xf32>,
        %get3A_399 = vector.shape_cast %get3A_398 : vector<1x1x16xf32> to vector<16xf32>
        %add3A_400 = arith.addf %get3A_399, %get3A_375 : vector<16xf32>
        %swap3A_401 = arith.constant 1 : i32
        %swap3A_402 = arith.index_cast %swap3A_401 : i32 to index
        %swap3A_403 = arith.index_cast %add3A_393 : i32 to index
        %swap3A_404 = arith.constant 48 : index
        %swap3A_405 = tpu.vector_load %arg8[%swap3A_402, %swap3A_403, %swap3A_404] {strides = array<i32>} : memref<4x400x64xf32, #tpu.memory_space<vmem>>, vector<1x1x16xf32>,
        %swap3A_406 = vector.shape_cast %swap3A_405 : vector<1x1x16xf32> to vector<16xf32>
        %swap3A_407 = vector.shape_cast %add3A_400 : vector<16xf32> to vector<1x1x16xf32>
        tpu.vector_store %arg8[%swap3A_402, %swap3A_403, %swap3A_404], %swap3A_407 {strides = array<i32>} : memref<4x400x64xf32, #tpu.memory_space<vmem>>, vector<1x1x16xf32>,
      }
      %scan3A_158 = arith.constant 200 : i32
      %mul3A_159 = arith.constant 400 : i32
      %mul3A_160 = arith.muli %add3A_133, %mul3A_159 : i32
      %add3A_161 = arith.addi %mul3A_2, %mul3A_160 : i32
      %dma_start3A_162 = arith.constant 1 : i32
      %dma_start3A_163 = arith.constant 0 : i32
      %dma_start3A_164 = arith.constant 0 : i32
      %dma_start3A_165 = tpu.memref_slice %arg8[%dma_start3A_162, %dma_start3A_163, %dma_start3A_164] : memref<4x400x64xf32, #tpu.memory_space<vmem>> -> memref<1x400x64xf32, #tpu.memory_space<vmem>>
      %dma_start3A_166 = tpu.memref_squeeze %dma_start3A_165 : memref<1x400x64xf32, #tpu.memory_space<vmem>> -> memref<400x64xf32, #tpu.memory_space<vmem>>
      %dma_start3A_167 = arith.constant 0 : i32
      %dma_start3A_168 = tpu.memref_slice %arg5[%add3A_161, %dma_start3A_167] : memref<819200x64xf32, #tpu.memory_space<hbm>> -> memref<400x64xf32, #tpu.memory_space<hbm>>
      %dma_start3A_169 = arith.constant 0 : i32
      %dma_start3A_170 = tpu.memref_slice %arg5[%add3A_161, %dma_start3A_169] : memref<819200x64xf32, #tpu.memory_space<hbm>> -> memref<400x64xf32, #tpu.memory_space<hbm>>
      %dma_start3A_171 = arith.constant 0 : i32
      %dma_start3A_172 = arith.constant 0 : i32
      %dma_start3A_173 = tpu.memref_slice %arg8[%dma_start3A_162, %dma_start3A_171, %dma_start3A_172] : memref<4x400x64xf32, #tpu.memory_space<vmem>> -> memref<1x400x64xf32, #tpu.memory_space<vmem>>
      %dma_start3A_174 = tpu.memref_squeeze %dma_start3A_173 : memref<1x400x64xf32, #tpu.memory_space<vmem>> -> memref<400x64xf32, #tpu.memory_space<vmem>>
      tpu.enqueue_dma source(%dma_start3A_174 : memref<400x64xf32, #tpu.memory_space<vmem>>) target(%dma_start3A_170 : memref<400x64xf32, #tpu.memory_space<hbm>>) target_semaphore(%arg14 : memref<!tpu.dma_semaphore, #tpu.memory_space<semaphore_mem>>)
      %mul3A_175 = arith.constant 4 : i32
      %mul3A_176 = arith.muli %scan3A_87, %mul3A_175 : i32
      %add3A_177 = arith.constant 2 : i32
      %add3A_178 = arith.addi %mul3A_176, %add3A_177 : i32
      %add3A_179 = arith.constant 2 : i32
      %add3A_180 = arith.addi %add3A_178, %add3A_179 : i32
      %lt3A_181 = arith.constant 64 : i32
      %lt3A_182 = arith.cmpi slt, %add3A_180, %lt3A_181 : i32
      %convert_element_type3A_183 = arith.extui %lt3A_182 : i1 to i32
      %cond3A_184 = arith.constant 0 : i32
      %cond3A_185 = arith.cmpi ne, %convert_element_type3A_183, %cond3A_184 : i32
      scf.if %cond3A_185 {
        %add3A_265 = arith.constant 2 : i32
        %add3A_266 = arith.addi %add3A_178, %add3A_265 : i32
        %ge3A = arith.constant 4 : i32
        %ge3A_267 = arith.cmpi sge, %add3A_266, %ge3A : i32
        %convert_element_type3A_268 = arith.extui %ge3A_267 : i1 to i32
        %cond3A_269 = arith.constant 0 : i32
        %cond3A_270 = arith.cmpi ne, %convert_element_type3A_268, %cond3A_269 : i32
        scf.if %cond3A_270 {
          %dma_wait3A_289 = arith.constant 0 : i32
          %dma_wait3A_290 = arith.constant 0 : i32
          %dma_wait3A_291 = arith.constant 0 : i32
          %dma_wait3A_292 = tpu.memref_slice %arg8[%dma_wait3A_289, %dma_wait3A_290, %dma_wait3A_291] : memref<4x400x64xf32, #tpu.memory_space<vmem>> -> memref<1x400x64xf32, #tpu.memory_space<vmem>>
          %dma_wait3A_293 = tpu.memref_squeeze %dma_wait3A_292 : memref<1x400x64xf32, #tpu.memory_space<vmem>> -> memref<400x64xf32, #tpu.memory_space<vmem>>
          %dma_wait3A_294 = arith.constant 0 : i32
          %dma_wait3A_295 = tpu.memref_slice %arg5[%mul3A_2, %dma_wait3A_294] : memref<819200x64xf32, #tpu.memory_space<hbm>> -> memref<400x64xf32, #tpu.memory_space<hbm>>
          %dma_wait3A_296 = arith.constant 0 : i32
          %dma_wait3A_297 = tpu.memref_slice %arg5[%mul3A_2, %dma_wait3A_296] : memref<819200x64xf32, #tpu.memory_space<hbm>> -> memref<400x64xf32, #tpu.memory_space<hbm>>
          %dma_wait3A_298 = arith.constant 0 : i32
          %dma_wait3A_299 = arith.constant 0 : i32
          %dma_wait3A_300 = tpu.memref_slice %arg8[%dma_wait3A_289, %dma_wait3A_298, %dma_wait3A_299] : memref<4x400x64xf32, #tpu.memory_space<vmem>> -> memref<1x400x64xf32, #tpu.memory_space<vmem>>
          %dma_wait3A_301 = tpu.memref_squeeze %dma_wait3A_300 : memref<1x400x64xf32, #tpu.memory_space<vmem>> -> memref<400x64xf32, #tpu.memory_space<vmem>>
          tpu.wait_dma2 semaphore(%arg13 : memref<!tpu.dma_semaphore, #tpu.memory_space<semaphore_mem>>) src(%dma_wait3A_301 : memref<400x64xf32, #tpu.memory_space<vmem>>) dst(%dma_wait3A_297 : memref<400x64xf32, #tpu.memory_space<hbm>>)
        } else {
        }
        %add3A_271 = arith.constant 2 : i32
        %add3A_272 = arith.addi %add3A_178, %add3A_271 : i32
        %mul3A_273 = arith.constant 400 : i32
        %mul3A_274 = arith.muli %add3A_272, %mul3A_273 : i32
        %add3A_275 = arith.addi %mul3A_2, %mul3A_274 : i32
        %run_scoped3A_276 = arith.constant 0 : i32
        "tpu.region"() ({
          %run_scoped3A_289 = tpu.sem_alloc : memref<!tpu.dma_semaphore, #tpu.memory_space<semaphore_mem>>
          %dma_start3A_290 = arith.constant 0 : i32
          %dma_start3A_291 = tpu.memref_slice %arg7[%run_scoped3A_276, %dma_start3A_290] : memref<4x400xi32, #tpu.memory_space<vmem>> -> memref<1x400xi32, #tpu.memory_space<vmem>>
          %dma_start3A_292 = tpu.memref_squeeze %dma_start3A_291 : memref<1x400xi32, #tpu.memory_space<vmem>> -> memref<400xi32, #tpu.memory_space<vmem>>
          %dma_start3A_293 = tpu.memref_slice %arg2[%add3A_275] : memref<819200xi32, #tpu.memory_space<hbm>> -> memref<400xi32, #tpu.memory_space<hbm>>
          %dma_start3A_294 = arith.constant 0 : i32
          %dma_start3A_295 = tpu.memref_slice %arg7[%run_scoped3A_276, %dma_start3A_294] : memref<4x400xi32, #tpu.memory_space<vmem>> -> memref<1x400xi32, #tpu.memory_space<vmem>>
          %dma_start3A_296 = tpu.memref_squeeze %dma_start3A_295 : memref<1x400xi32, #tpu.memory_space<vmem>> -> memref<400xi32, #tpu.memory_space<vmem>>
          %dma_start3A_297 = tpu.memref_slice %arg2[%add3A_275] : memref<819200xi32, #tpu.memory_space<hbm>> -> memref<400xi32, #tpu.memory_space<hbm>>
          tpu.enqueue_dma source(%dma_start3A_297 : memref<400xi32, #tpu.memory_space<hbm>>) target(%dma_start3A_296 : memref<400xi32, #tpu.memory_space<vmem>>) target_semaphore(%run_scoped3A_289 : memref<!tpu.dma_semaphore, #tpu.memory_space<semaphore_mem>>)
          %dma_wait3A_298 = arith.constant 0 : i32
          %dma_wait3A_299 = tpu.memref_slice %arg7[%run_scoped3A_276, %dma_wait3A_298] : memref<4x400xi32, #tpu.memory_space<vmem>> -> memref<1x400xi32, #tpu.memory_space<vmem>>
          %dma_wait3A_300 = tpu.memref_squeeze %dma_wait3A_299 : memref<1x400xi32, #tpu.memory_space<vmem>> -> memref<400xi32, #tpu.memory_space<vmem>>
          %dma_wait3A_301 = tpu.memref_slice %arg2[%add3A_275] : memref<819200xi32, #tpu.memory_space<hbm>> -> memref<400xi32, #tpu.memory_space<hbm>>
          %dma_wait3A_302 = arith.constant 0 : i32
          %dma_wait3A_303 = tpu.memref_slice %arg7[%run_scoped3A_276, %dma_wait3A_302] : memref<4x400xi32, #tpu.memory_space<vmem>> -> memref<1x400xi32, #tpu.memory_space<vmem>>
          %dma_wait3A_304 = tpu.memref_squeeze %dma_wait3A_303 : memref<1x400xi32, #tpu.memory_space<vmem>> -> memref<400xi32, #tpu.memory_space<vmem>>
          %dma_wait3A_305 = tpu.memref_slice %arg2[%add3A_275] : memref<819200xi32, #tpu.memory_space<hbm>> -> memref<400xi32, #tpu.memory_space<hbm>>
          tpu.wait_dma2 semaphore(%run_scoped3A_289 : memref<!tpu.dma_semaphore, #tpu.memory_space<semaphore_mem>>) src(%dma_wait3A_305 : memref<400xi32, #tpu.memory_space<hbm>>) dst(%dma_wait3A_304 : memref<400xi32, #tpu.memory_space<vmem>>)
          tpu.yield
        }) : () -> ()
        %dma_start3A_277 = arith.constant 0 : i32
        %dma_start3A_278 = arith.constant 0 : i32
        %dma_start3A_279 = arith.constant 0 : i32
        %dma_start3A_280 = arith.constant 0 : i32
        %dma_start3A_281 = tpu.memref_slice %arg8[%dma_start3A_278, %dma_start3A_279, %dma_start3A_280] : memref<4x400x64xf32, #tpu.memory_space<vmem>> -> memref<1x400x64xf32, #tpu.memory_space<vmem>>
        %dma_start3A_282 = tpu.memref_squeeze %dma_start3A_281 : memref<1x400x64xf32, #tpu.memory_space<vmem>> -> memref<400x64xf32, #tpu.memory_space<vmem>>
        %dma_start3A_283 = arith.constant 0 : i32
        %dma_start3A_284 = tpu.memref_slice %arg7[%dma_start3A_277, %dma_start3A_283] : memref<4x400xi32, #tpu.memory_space<vmem>> -> memref<1x400xi32, #tpu.memory_space<vmem>>
        %dma_start3A_285 = tpu.memref_squeeze %dma_start3A_284 : memref<1x400xi32, #tpu.memory_space<vmem>> -> memref<400xi32, #tpu.memory_space<vmem>>
        %dma_start3A_286 = arith.constant 0 : i32
        %dma_start3A_287 = arith.constant 0 : i32
        %dma_start3A_288 = tpu.memref_slice %arg3[%dma_start3A_286, %dma_start3A_287] : memref<100000x64xf32, #tpu.memory_space<hbm>> -> memref<100000x64xf32, #tpu.memory_space<hbm>>
        tpu.enqueue_indirect_dma source(%dma_start3A_288 : memref<100000x64xf32, #tpu.memory_space<hbm>>) target(%dma_start3A_282 : memref<400x64xf32, #tpu.memory_space<vmem>>) offsets(%dma_start3A_285 : memref<400xi32, #tpu.memory_space<vmem>>) semaphore(%arg9 : memref<!tpu.dma_semaphore, #tpu.memory_space<semaphore_mem>>)
      } else {
      }
      %dma_wait3A_186 = arith.constant 2 : i32
      %dma_wait3A_187 = arith.constant 2 : i32
      %dma_wait3A_188 = arith.constant 0 : i32
      %dma_wait3A_189 = arith.constant 0 : i32
      %dma_wait3A_190 = tpu.memref_slice %arg8[%dma_wait3A_187, %dma_wait3A_188, %dma_wait3A_189] : memref<4x400x64xf32, #tpu.memory_space<vmem>> -> memref<1x400x64xf32, #tpu.memory_space<vmem>>
      %dma_wait3A_191 = tpu.memref_squeeze %dma_wait3A_190 : memref<1x400x64xf32, #tpu.memory_space<vmem>> -> memref<400x64xf32, #tpu.memory_space<vmem>>
      %dma_wait3A_192 = arith.constant 0 : i32
      %dma_wait3A_193 = tpu.memref_slice %arg7[%dma_wait3A_186, %dma_wait3A_192] : memref<4x400xi32, #tpu.memory_space<vmem>> -> memref<1x400xi32, #tpu.memory_space<vmem>>
      %dma_wait3A_194 = tpu.memref_squeeze %dma_wait3A_193 : memref<1x400xi32, #tpu.memory_space<vmem>> -> memref<400xi32, #tpu.memory_space<vmem>>
      %dma_wait3A_195 = arith.constant 0 : i32
      %dma_wait3A_196 = arith.constant 0 : i32
      %dma_wait3A_197 = tpu.memref_slice %arg3[%dma_wait3A_195, %dma_wait3A_196] : memref<100000x64xf32, #tpu.memory_space<hbm>> -> memref<100000x64xf32, #tpu.memory_space<hbm>>
      tpu.wait_indirect_dma semaphore(%arg11 : memref<!tpu.dma_semaphore, #tpu.memory_space<semaphore_mem>>) src(%dma_wait3A_197 : memref<100000x64xf32, #tpu.memory_space<hbm>>) dst(%dma_wait3A_191 : memref<400x64xf32, #tpu.memory_space<vmem>>)
      %scan3A_198 = arith.constant 0 : i32
      %scan3A_199 = arith.constant 0 : i32
      %scan3A_200 = arith.constant 200 : i32
      %scan3A_201 = arith.addi %scan3A_199, %scan3A_200 : i32
      %scan3A_202 = arith.constant 1 : i32
      scf.for %scan3A_265 = %scan3A_199 to %scan3A_201 step %scan3A_202  : i32 {
        %get3A = arith.index_cast %scan3A_265 : i32 to index
        %get3A_266 = arith.constant 0 : index
        %get3A_267 = tpu.vector_load %arg6[%get3A, %get3A_266] {strides = array<i32>} : memref<200x64xf32, #tpu.memory_space<vmem>>, vector<1x16xf32>,
        %get3A_268 = vector.shape_cast %get3A_267 : vector<1x16xf32> to vector<16xf32>
        %add3A_269 = arith.constant 0 : i32
        %add3A_270 = arith.addi %add3A_269, %scan3A_265 : i32
        %get3A_271 = arith.constant 2 : i32
        %get3A_272 = arith.index_cast %get3A_271 : i32 to index
        %get3A_273 = arith.index_cast %add3A_270 : i32 to index
        %get3A_274 = arith.constant 0 : index
        %get3A_275 = tpu.vector_load %arg8[%get3A_272, %get3A_273, %get3A_274] {strides = array<i32>} : memref<4x400x64xf32, #tpu.memory_space<vmem>>, vector<1x1x16xf32>,
        %get3A_276 = vector.shape_cast %get3A_275 : vector<1x1x16xf32> to vector<16xf32>
        %add3A_277 = arith.addf %get3A_276, %get3A_268 : vector<16xf32>
        %swap3A = arith.constant 2 : i32
        %swap3A_278 = arith.index_cast %swap3A : i32 to index
        %swap3A_279 = arith.index_cast %add3A_270 : i32 to index
        %swap3A_280 = arith.constant 0 : index
        %swap3A_281 = tpu.vector_load %arg8[%swap3A_278, %swap3A_279, %swap3A_280] {strides = array<i32>} : memref<4x400x64xf32, #tpu.memory_space<vmem>>, vector<1x1x16xf32>,
        %swap3A_282 = vector.shape_cast %swap3A_281 : vector<1x1x16xf32> to vector<16xf32>
        %swap3A_283 = vector.shape_cast %add3A_277 : vector<16xf32> to vector<1x1x16xf32>
        tpu.vector_store %arg8[%swap3A_278, %swap3A_279, %swap3A_280], %swap3A_283 {strides = array<i32>} : memref<4x400x64xf32, #tpu.memory_space<vmem>>, vector<1x1x16xf32>,
        %add3A_284 = arith.constant 200 : i32
        %add3A_285 = arith.addi %add3A_284, %scan3A_265 : i32
        %get3A_286 = arith.constant 2 : i32
        %get3A_287 = arith.index_cast %get3A_286 : i32 to index
        %get3A_288 = arith.index_cast %add3A_285 : i32 to index
        %get3A_289 = arith.constant 0 : index
        %get3A_290 = tpu.vector_load %arg8[%get3A_287, %get3A_288, %get3A_289] {strides = array<i32>} : memref<4x400x64xf32, #tpu.memory_space<vmem>>, vector<1x1x16xf32>,
        %get3A_291 = vector.shape_cast %get3A_290 : vector<1x1x16xf32> to vector<16xf32>
        %add3A_292 = arith.addf %get3A_291, %get3A_268 : vector<16xf32>
        %swap3A_293 = arith.constant 2 : i32
        %swap3A_294 = arith.index_cast %swap3A_293 : i32 to index
        %swap3A_295 = arith.index_cast %add3A_285 : i32 to index
        %swap3A_296 = arith.constant 0 : index
        %swap3A_297 = tpu.vector_load %arg8[%swap3A_294, %swap3A_295, %swap3A_296] {strides = array<i32>} : memref<4x400x64xf32, #tpu.memory_space<vmem>>, vector<1x1x16xf32>,
        %swap3A_298 = vector.shape_cast %swap3A_297 : vector<1x1x16xf32> to vector<16xf32>
        %swap3A_299 = vector.shape_cast %add3A_292 : vector<16xf32> to vector<1x1x16xf32>
        tpu.vector_store %arg8[%swap3A_294, %swap3A_295, %swap3A_296], %swap3A_299 {strides = array<i32>} : memref<4x400x64xf32, #tpu.memory_space<vmem>>, vector<1x1x16xf32>,
        %get3A_300 = arith.index_cast %scan3A_265 : i32 to index
        %get3A_301 = arith.constant 16 : index
        %get3A_302 = tpu.vector_load %arg6[%get3A_300, %get3A_301] {strides = array<i32>} : memref<200x64xf32, #tpu.memory_space<vmem>>, vector<1x16xf32>,
        %get3A_303 = vector.shape_cast %get3A_302 : vector<1x16xf32> to vector<16xf32>
        %add3A_304 = arith.constant 0 : i32
        %add3A_305 = arith.addi %add3A_304, %scan3A_265 : i32
        %get3A_306 = arith.constant 2 : i32
        %get3A_307 = arith.index_cast %get3A_306 : i32 to index
        %get3A_308 = arith.index_cast %add3A_305 : i32 to index
        %get3A_309 = arith.constant 16 : index
        %get3A_310 = tpu.vector_load %arg8[%get3A_307, %get3A_308, %get3A_309] {strides = array<i32>} : memref<4x400x64xf32, #tpu.memory_space<vmem>>, vector<1x1x16xf32>,
        %get3A_311 = vector.shape_cast %get3A_310 : vector<1x1x16xf32> to vector<16xf32>
        %add3A_312 = arith.addf %get3A_311, %get3A_303 : vector<16xf32>
        %swap3A_313 = arith.constant 2 : i32
        %swap3A_314 = arith.index_cast %swap3A_313 : i32 to index
        %swap3A_315 = arith.index_cast %add3A_305 : i32 to index
        %swap3A_316 = arith.constant 16 : index
        %swap3A_317 = tpu.vector_load %arg8[%swap3A_314, %swap3A_315, %swap3A_316] {strides = array<i32>} : memref<4x400x64xf32, #tpu.memory_space<vmem>>, vector<1x1x16xf32>,
        %swap3A_318 = vector.shape_cast %swap3A_317 : vector<1x1x16xf32> to vector<16xf32>
        %swap3A_319 = vector.shape_cast %add3A_312 : vector<16xf32> to vector<1x1x16xf32>
        tpu.vector_store %arg8[%swap3A_314, %swap3A_315, %swap3A_316], %swap3A_319 {strides = array<i32>} : memref<4x400x64xf32, #tpu.memory_space<vmem>>, vector<1x1x16xf32>,
        %add3A_320 = arith.constant 200 : i32
        %add3A_321 = arith.addi %add3A_320, %scan3A_265 : i32
        %get3A_322 = arith.constant 2 : i32
        %get3A_323 = arith.index_cast %get3A_322 : i32 to index
        %get3A_324 = arith.index_cast %add3A_321 : i32 to index
        %get3A_325 = arith.constant 16 : index
        %get3A_326 = tpu.vector_load %arg8[%get3A_323, %get3A_324, %get3A_325] {strides = array<i32>} : memref<4x400x64xf32, #tpu.memory_space<vmem>>, vector<1x1x16xf32>,
        %get3A_327 = vector.shape_cast %get3A_326 : vector<1x1x16xf32> to vector<16xf32>
        %add3A_328 = arith.addf %get3A_327, %get3A_303 : vector<16xf32>
        %swap3A_329 = arith.constant 2 : i32
        %swap3A_330 = arith.index_cast %swap3A_329 : i32 to index
        %swap3A_331 = arith.index_cast %add3A_321 : i32 to index
        %swap3A_332 = arith.constant 16 : index
        %swap3A_333 = tpu.vector_load %arg8[%swap3A_330, %swap3A_331, %swap3A_332] {strides = array<i32>} : memref<4x400x64xf32, #tpu.memory_space<vmem>>, vector<1x1x16xf32>,
        %swap3A_334 = vector.shape_cast %swap3A_333 : vector<1x1x16xf32> to vector<16xf32>
        %swap3A_335 = vector.shape_cast %add3A_328 : vector<16xf32> to vector<1x1x16xf32>
        tpu.vector_store %arg8[%swap3A_330, %swap3A_331, %swap3A_332], %swap3A_335 {strides = array<i32>} : memref<4x400x64xf32, #tpu.memory_space<vmem>>, vector<1x1x16xf32>,
        %get3A_336 = arith.index_cast %scan3A_265 : i32 to index
        %get3A_337 = arith.constant 32 : index
        %get3A_338 = tpu.vector_load %arg6[%get3A_336, %get3A_337] {strides = array<i32>} : memref<200x64xf32, #tpu.memory_space<vmem>>, vector<1x16xf32>,
        %get3A_339 = vector.shape_cast %get3A_338 : vector<1x16xf32> to vector<16xf32>
        %add3A_340 = arith.constant 0 : i32
        %add3A_341 = arith.addi %add3A_340, %scan3A_265 : i32
        %get3A_342 = arith.constant 2 : i32
        %get3A_343 = arith.index_cast %get3A_342 : i32 to index
        %get3A_344 = arith.index_cast %add3A_341 : i32 to index
        %get3A_345 = arith.constant 32 : index
        %get3A_346 = tpu.vector_load %arg8[%get3A_343, %get3A_344, %get3A_345] {strides = array<i32>} : memref<4x400x64xf32, #tpu.memory_space<vmem>>, vector<1x1x16xf32>,
        %get3A_347 = vector.shape_cast %get3A_346 : vector<1x1x16xf32> to vector<16xf32>
        %add3A_348 = arith.addf %get3A_347, %get3A_339 : vector<16xf32>
        %swap3A_349 = arith.constant 2 : i32
        %swap3A_350 = arith.index_cast %swap3A_349 : i32 to index
        %swap3A_351 = arith.index_cast %add3A_341 : i32 to index
        %swap3A_352 = arith.constant 32 : index
        %swap3A_353 = tpu.vector_load %arg8[%swap3A_350, %swap3A_351, %swap3A_352] {strides = array<i32>} : memref<4x400x64xf32, #tpu.memory_space<vmem>>, vector<1x1x16xf32>,
        %swap3A_354 = vector.shape_cast %swap3A_353 : vector<1x1x16xf32> to vector<16xf32>
        %swap3A_355 = vector.shape_cast %add3A_348 : vector<16xf32> to vector<1x1x16xf32>
        tpu.vector_store %arg8[%swap3A_350, %swap3A_351, %swap3A_352], %swap3A_355 {strides = array<i32>} : memref<4x400x64xf32, #tpu.memory_space<vmem>>, vector<1x1x16xf32>,
        %add3A_356 = arith.constant 200 : i32
        %add3A_357 = arith.addi %add3A_356, %scan3A_265 : i32
        %get3A_358 = arith.constant 2 : i32
        %get3A_359 = arith.index_cast %get3A_358 : i32 to index
        %get3A_360 = arith.index_cast %add3A_357 : i32 to index
        %get3A_361 = arith.constant 32 : index
        %get3A_362 = tpu.vector_load %arg8[%get3A_359, %get3A_360, %get3A_361] {strides = array<i32>} : memref<4x400x64xf32, #tpu.memory_space<vmem>>, vector<1x1x16xf32>,
        %get3A_363 = vector.shape_cast %get3A_362 : vector<1x1x16xf32> to vector<16xf32>
        %add3A_364 = arith.addf %get3A_363, %get3A_339 : vector<16xf32>
        %swap3A_365 = arith.constant 2 : i32
        %swap3A_366 = arith.index_cast %swap3A_365 : i32 to index
        %swap3A_367 = arith.index_cast %add3A_357 : i32 to index
        %swap3A_368 = arith.constant 32 : index
        %swap3A_369 = tpu.vector_load %arg8[%swap3A_366, %swap3A_367, %swap3A_368] {strides = array<i32>} : memref<4x400x64xf32, #tpu.memory_space<vmem>>, vector<1x1x16xf32>,
        %swap3A_370 = vector.shape_cast %swap3A_369 : vector<1x1x16xf32> to vector<16xf32>
        %swap3A_371 = vector.shape_cast %add3A_364 : vector<16xf32> to vector<1x1x16xf32>
        tpu.vector_store %arg8[%swap3A_366, %swap3A_367, %swap3A_368], %swap3A_371 {strides = array<i32>} : memref<4x400x64xf32, #tpu.memory_space<vmem>>, vector<1x1x16xf32>,
        %get3A_372 = arith.index_cast %scan3A_265 : i32 to index
        %get3A_373 = arith.constant 48 : index
        %get3A_374 = tpu.vector_load %arg6[%get3A_372, %get3A_373] {strides = array<i32>} : memref<200x64xf32, #tpu.memory_space<vmem>>, vector<1x16xf32>,
        %get3A_375 = vector.shape_cast %get3A_374 : vector<1x16xf32> to vector<16xf32>
        %add3A_376 = arith.constant 0 : i32
        %add3A_377 = arith.addi %add3A_376, %scan3A_265 : i32
        %get3A_378 = arith.constant 2 : i32
        %get3A_379 = arith.index_cast %get3A_378 : i32 to index
        %get3A_380 = arith.index_cast %add3A_377 : i32 to index
        %get3A_381 = arith.constant 48 : index
        %get3A_382 = tpu.vector_load %arg8[%get3A_379, %get3A_380, %get3A_381] {strides = array<i32>} : memref<4x400x64xf32, #tpu.memory_space<vmem>>, vector<1x1x16xf32>,
        %get3A_383 = vector.shape_cast %get3A_382 : vector<1x1x16xf32> to vector<16xf32>
        %add3A_384 = arith.addf %get3A_383, %get3A_375 : vector<16xf32>
        %swap3A_385 = arith.constant 2 : i32
        %swap3A_386 = arith.index_cast %swap3A_385 : i32 to index
        %swap3A_387 = arith.index_cast %add3A_377 : i32 to index
        %swap3A_388 = arith.constant 48 : index
        %swap3A_389 = tpu.vector_load %arg8[%swap3A_386, %swap3A_387, %swap3A_388] {strides = array<i32>} : memref<4x400x64xf32, #tpu.memory_space<vmem>>, vector<1x1x16xf32>,
        %swap3A_390 = vector.shape_cast %swap3A_389 : vector<1x1x16xf32> to vector<16xf32>
        %swap3A_391 = vector.shape_cast %add3A_384 : vector<16xf32> to vector<1x1x16xf32>
        tpu.vector_store %arg8[%swap3A_386, %swap3A_387, %swap3A_388], %swap3A_391 {strides = array<i32>} : memref<4x400x64xf32, #tpu.memory_space<vmem>>, vector<1x1x16xf32>,
        %add3A_392 = arith.constant 200 : i32
        %add3A_393 = arith.addi %add3A_392, %scan3A_265 : i32
        %get3A_394 = arith.constant 2 : i32
        %get3A_395 = arith.index_cast %get3A_394 : i32 to index
        %get3A_396 = arith.index_cast %add3A_393 : i32 to index
        %get3A_397 = arith.constant 48 : index
        %get3A_398 = tpu.vector_load %arg8[%get3A_395, %get3A_396, %get3A_397] {strides = array<i32>} : memref<4x400x64xf32, #tpu.memory_space<vmem>>, vector<1x1x16xf32>,
        %get3A_399 = vector.shape_cast %get3A_398 : vector<1x1x16xf32> to vector<16xf32>
        %add3A_400 = arith.addf %get3A_399, %get3A_375 : vector<16xf32>
        %swap3A_401 = arith.constant 2 : i32
        %swap3A_402 = arith.index_cast %swap3A_401 : i32 to index
        %swap3A_403 = arith.index_cast %add3A_393 : i32 to index
        %swap3A_404 = arith.constant 48 : index
        %swap3A_405 = tpu.vector_load %arg8[%swap3A_402, %swap3A_403, %swap3A_404] {strides = array<i32>} : memref<4x400x64xf32, #tpu.memory_space<vmem>>, vector<1x1x16xf32>,
        %swap3A_406 = vector.shape_cast %swap3A_405 : vector<1x1x16xf32> to vector<16xf32>
        %swap3A_407 = vector.shape_cast %add3A_400 : vector<16xf32> to vector<1x1x16xf32>
        tpu.vector_store %arg8[%swap3A_402, %swap3A_403, %swap3A_404], %swap3A_407 {strides = array<i32>} : memref<4x400x64xf32, #tpu.memory_space<vmem>>, vector<1x1x16xf32>,
      }
      %scan3A_203 = arith.constant 200 : i32
      %mul3A_204 = arith.constant 400 : i32
      %mul3A_205 = arith.muli %add3A_178, %mul3A_204 : i32
      %add3A_206 = arith.addi %mul3A_2, %mul3A_205 : i32
      %dma_start3A_207 = arith.constant 2 : i32
      %dma_start3A_208 = arith.constant 0 : i32
      %dma_start3A_209 = arith.constant 0 : i32
      %dma_start3A_210 = tpu.memref_slice %arg8[%dma_start3A_207, %dma_start3A_208, %dma_start3A_209] : memref<4x400x64xf32, #tpu.memory_space<vmem>> -> memref<1x400x64xf32, #tpu.memory_space<vmem>>
      %dma_start3A_211 = tpu.memref_squeeze %dma_start3A_210 : memref<1x400x64xf32, #tpu.memory_space<vmem>> -> memref<400x64xf32, #tpu.memory_space<vmem>>
      %dma_start3A_212 = arith.constant 0 : i32
      %dma_start3A_213 = tpu.memref_slice %arg5[%add3A_206, %dma_start3A_212] : memref<819200x64xf32, #tpu.memory_space<hbm>> -> memref<400x64xf32, #tpu.memory_space<hbm>>
      %dma_start3A_214 = arith.constant 0 : i32
      %dma_start3A_215 = tpu.memref_slice %arg5[%add3A_206, %dma_start3A_214] : memref<819200x64xf32, #tpu.memory_space<hbm>> -> memref<400x64xf32, #tpu.memory_space<hbm>>
      %dma_start3A_216 = arith.constant 0 : i32
      %dma_start3A_217 = arith.constant 0 : i32
      %dma_start3A_218 = tpu.memref_slice %arg8[%dma_start3A_207, %dma_start3A_216, %dma_start3A_217] : memref<4x400x64xf32, #tpu.memory_space<vmem>> -> memref<1x400x64xf32, #tpu.memory_space<vmem>>
      %dma_start3A_219 = tpu.memref_squeeze %dma_start3A_218 : memref<1x400x64xf32, #tpu.memory_space<vmem>> -> memref<400x64xf32, #tpu.memory_space<vmem>>
      tpu.enqueue_dma source(%dma_start3A_219 : memref<400x64xf32, #tpu.memory_space<vmem>>) target(%dma_start3A_215 : memref<400x64xf32, #tpu.memory_space<hbm>>) target_semaphore(%arg15 : memref<!tpu.dma_semaphore, #tpu.memory_space<semaphore_mem>>)
      %mul3A_220 = arith.constant 4 : i32
      %mul3A_221 = arith.muli %scan3A_87, %mul3A_220 : i32
      %add3A_222 = arith.constant 3 : i32
      %add3A_223 = arith.addi %mul3A_221, %add3A_222 : i32
      %add3A_224 = arith.constant 2 : i32
      %add3A_225 = arith.addi %add3A_223, %add3A_224 : i32
      %lt3A_226 = arith.constant 64 : i32
      %lt3A_227 = arith.cmpi slt, %add3A_225, %lt3A_226 : i32
      %convert_element_type3A_228 = arith.extui %lt3A_227 : i1 to i32
      %cond3A_229 = arith.constant 0 : i32
      %cond3A_230 = arith.cmpi ne, %convert_element_type3A_228, %cond3A_229 : i32
      scf.if %cond3A_230 {
        %add3A_265 = arith.constant 2 : i32
        %add3A_266 = arith.addi %add3A_223, %add3A_265 : i32
        %ge3A = arith.constant 4 : i32
        %ge3A_267 = arith.cmpi sge, %add3A_266, %ge3A : i32
        %convert_element_type3A_268 = arith.extui %ge3A_267 : i1 to i32
        %cond3A_269 = arith.constant 0 : i32
        %cond3A_270 = arith.cmpi ne, %convert_element_type3A_268, %cond3A_269 : i32
        scf.if %cond3A_270 {
          %dma_wait3A_289 = arith.constant 1 : i32
          %dma_wait3A_290 = arith.constant 0 : i32
          %dma_wait3A_291 = arith.constant 0 : i32
          %dma_wait3A_292 = tpu.memref_slice %arg8[%dma_wait3A_289, %dma_wait3A_290, %dma_wait3A_291] : memref<4x400x64xf32, #tpu.memory_space<vmem>> -> memref<1x400x64xf32, #tpu.memory_space<vmem>>
          %dma_wait3A_293 = tpu.memref_squeeze %dma_wait3A_292 : memref<1x400x64xf32, #tpu.memory_space<vmem>> -> memref<400x64xf32, #tpu.memory_space<vmem>>
          %dma_wait3A_294 = arith.constant 0 : i32
          %dma_wait3A_295 = tpu.memref_slice %arg5[%mul3A_2, %dma_wait3A_294] : memref<819200x64xf32, #tpu.memory_space<hbm>> -> memref<400x64xf32, #tpu.memory_space<hbm>>
          %dma_wait3A_296 = arith.constant 0 : i32
          %dma_wait3A_297 = tpu.memref_slice %arg5[%mul3A_2, %dma_wait3A_296] : memref<819200x64xf32, #tpu.memory_space<hbm>> -> memref<400x64xf32, #tpu.memory_space<hbm>>
          %dma_wait3A_298 = arith.constant 0 : i32
          %dma_wait3A_299 = arith.constant 0 : i32
          %dma_wait3A_300 = tpu.memref_slice %arg8[%dma_wait3A_289, %dma_wait3A_298, %dma_wait3A_299] : memref<4x400x64xf32, #tpu.memory_space<vmem>> -> memref<1x400x64xf32, #tpu.memory_space<vmem>>
          %dma_wait3A_301 = tpu.memref_squeeze %dma_wait3A_300 : memref<1x400x64xf32, #tpu.memory_space<vmem>> -> memref<400x64xf32, #tpu.memory_space<vmem>>
          tpu.wait_dma2 semaphore(%arg14 : memref<!tpu.dma_semaphore, #tpu.memory_space<semaphore_mem>>) src(%dma_wait3A_301 : memref<400x64xf32, #tpu.memory_space<vmem>>) dst(%dma_wait3A_297 : memref<400x64xf32, #tpu.memory_space<hbm>>)
        } else {
        }
        %add3A_271 = arith.constant 2 : i32
        %add3A_272 = arith.addi %add3A_223, %add3A_271 : i32
        %mul3A_273 = arith.constant 400 : i32
        %mul3A_274 = arith.muli %add3A_272, %mul3A_273 : i32
        %add3A_275 = arith.addi %mul3A_2, %mul3A_274 : i32
        %run_scoped3A_276 = arith.constant 1 : i32
        "tpu.region"() ({
          %run_scoped3A_289 = tpu.sem_alloc : memref<!tpu.dma_semaphore, #tpu.memory_space<semaphore_mem>>
          %dma_start3A_290 = arith.constant 0 : i32
          %dma_start3A_291 = tpu.memref_slice %arg7[%run_scoped3A_276, %dma_start3A_290] : memref<4x400xi32, #tpu.memory_space<vmem>> -> memref<1x400xi32, #tpu.memory_space<vmem>>
          %dma_start3A_292 = tpu.memref_squeeze %dma_start3A_291 : memref<1x400xi32, #tpu.memory_space<vmem>> -> memref<400xi32, #tpu.memory_space<vmem>>
          %dma_start3A_293 = tpu.memref_slice %arg2[%add3A_275] : memref<819200xi32, #tpu.memory_space<hbm>> -> memref<400xi32, #tpu.memory_space<hbm>>
          %dma_start3A_294 = arith.constant 0 : i32
          %dma_start3A_295 = tpu.memref_slice %arg7[%run_scoped3A_276, %dma_start3A_294] : memref<4x400xi32, #tpu.memory_space<vmem>> -> memref<1x400xi32, #tpu.memory_space<vmem>>
          %dma_start3A_296 = tpu.memref_squeeze %dma_start3A_295 : memref<1x400xi32, #tpu.memory_space<vmem>> -> memref<400xi32, #tpu.memory_space<vmem>>
          %dma_start3A_297 = tpu.memref_slice %arg2[%add3A_275] : memref<819200xi32, #tpu.memory_space<hbm>> -> memref<400xi32, #tpu.memory_space<hbm>>
          tpu.enqueue_dma source(%dma_start3A_297 : memref<400xi32, #tpu.memory_space<hbm>>) target(%dma_start3A_296 : memref<400xi32, #tpu.memory_space<vmem>>) target_semaphore(%run_scoped3A_289 : memref<!tpu.dma_semaphore, #tpu.memory_space<semaphore_mem>>)
          %dma_wait3A_298 = arith.constant 0 : i32
          %dma_wait3A_299 = tpu.memref_slice %arg7[%run_scoped3A_276, %dma_wait3A_298] : memref<4x400xi32, #tpu.memory_space<vmem>> -> memref<1x400xi32, #tpu.memory_space<vmem>>
          %dma_wait3A_300 = tpu.memref_squeeze %dma_wait3A_299 : memref<1x400xi32, #tpu.memory_space<vmem>> -> memref<400xi32, #tpu.memory_space<vmem>>
          %dma_wait3A_301 = tpu.memref_slice %arg2[%add3A_275] : memref<819200xi32, #tpu.memory_space<hbm>> -> memref<400xi32, #tpu.memory_space<hbm>>
          %dma_wait3A_302 = arith.constant 0 : i32
          %dma_wait3A_303 = tpu.memref_slice %arg7[%run_scoped3A_276, %dma_wait3A_302] : memref<4x400xi32, #tpu.memory_space<vmem>> -> memref<1x400xi32, #tpu.memory_space<vmem>>
          %dma_wait3A_304 = tpu.memref_squeeze %dma_wait3A_303 : memref<1x400xi32, #tpu.memory_space<vmem>> -> memref<400xi32, #tpu.memory_space<vmem>>
          %dma_wait3A_305 = tpu.memref_slice %arg2[%add3A_275] : memref<819200xi32, #tpu.memory_space<hbm>> -> memref<400xi32, #tpu.memory_space<hbm>>
          tpu.wait_dma2 semaphore(%run_scoped3A_289 : memref<!tpu.dma_semaphore, #tpu.memory_space<semaphore_mem>>) src(%dma_wait3A_305 : memref<400xi32, #tpu.memory_space<hbm>>) dst(%dma_wait3A_304 : memref<400xi32, #tpu.memory_space<vmem>>)
          tpu.yield
        }) : () -> ()
        %dma_start3A_277 = arith.constant 1 : i32
        %dma_start3A_278 = arith.constant 1 : i32
        %dma_start3A_279 = arith.constant 0 : i32
        %dma_start3A_280 = arith.constant 0 : i32
        %dma_start3A_281 = tpu.memref_slice %arg8[%dma_start3A_278, %dma_start3A_279, %dma_start3A_280] : memref<4x400x64xf32, #tpu.memory_space<vmem>> -> memref<1x400x64xf32, #tpu.memory_space<vmem>>
        %dma_start3A_282 = tpu.memref_squeeze %dma_start3A_281 : memref<1x400x64xf32, #tpu.memory_space<vmem>> -> memref<400x64xf32, #tpu.memory_space<vmem>>
        %dma_start3A_283 = arith.constant 0 : i32
        %dma_start3A_284 = tpu.memref_slice %arg7[%dma_start3A_277, %dma_start3A_283] : memref<4x400xi32, #tpu.memory_space<vmem>> -> memref<1x400xi32, #tpu.memory_space<vmem>>
        %dma_start3A_285 = tpu.memref_squeeze %dma_start3A_284 : memref<1x400xi32, #tpu.memory_space<vmem>> -> memref<400xi32, #tpu.memory_space<vmem>>
        %dma_start3A_286 = arith.constant 0 : i32
        %dma_start3A_287 = arith.constant 0 : i32
        %dma_start3A_288 = tpu.memref_slice %arg3[%dma_start3A_286, %dma_start3A_287] : memref<100000x64xf32, #tpu.memory_space<hbm>> -> memref<100000x64xf32, #tpu.memory_space<hbm>>
        tpu.enqueue_indirect_dma source(%dma_start3A_288 : memref<100000x64xf32, #tpu.memory_space<hbm>>) target(%dma_start3A_282 : memref<400x64xf32, #tpu.memory_space<vmem>>) offsets(%dma_start3A_285 : memref<400xi32, #tpu.memory_space<vmem>>) semaphore(%arg10 : memref<!tpu.dma_semaphore, #tpu.memory_space<semaphore_mem>>)
      } else {
      }
      %dma_wait3A_231 = arith.constant 3 : i32
      %dma_wait3A_232 = arith.constant 3 : i32
      %dma_wait3A_233 = arith.constant 0 : i32
      %dma_wait3A_234 = arith.constant 0 : i32
      %dma_wait3A_235 = tpu.memref_slice %arg8[%dma_wait3A_232, %dma_wait3A_233, %dma_wait3A_234] : memref<4x400x64xf32, #tpu.memory_space<vmem>> -> memref<1x400x64xf32, #tpu.memory_space<vmem>>
      %dma_wait3A_236 = tpu.memref_squeeze %dma_wait3A_235 : memref<1x400x64xf32, #tpu.memory_space<vmem>> -> memref<400x64xf32, #tpu.memory_space<vmem>>
      %dma_wait3A_237 = arith.constant 0 : i32
      %dma_wait3A_238 = tpu.memref_slice %arg7[%dma_wait3A_231, %dma_wait3A_237] : memref<4x400xi32, #tpu.memory_space<vmem>> -> memref<1x400xi32, #tpu.memory_space<vmem>>
      %dma_wait3A_239 = tpu.memref_squeeze %dma_wait3A_238 : memref<1x400xi32, #tpu.memory_space<vmem>> -> memref<400xi32, #tpu.memory_space<vmem>>
      %dma_wait3A_240 = arith.constant 0 : i32
      %dma_wait3A_241 = arith.constant 0 : i32
      %dma_wait3A_242 = tpu.memref_slice %arg3[%dma_wait3A_240, %dma_wait3A_241] : memref<100000x64xf32, #tpu.memory_space<hbm>> -> memref<100000x64xf32, #tpu.memory_space<hbm>>
      tpu.wait_indirect_dma semaphore(%arg12 : memref<!tpu.dma_semaphore, #tpu.memory_space<semaphore_mem>>) src(%dma_wait3A_242 : memref<100000x64xf32, #tpu.memory_space<hbm>>) dst(%dma_wait3A_236 : memref<400x64xf32, #tpu.memory_space<vmem>>)
      %scan3A_243 = arith.constant 0 : i32
      %scan3A_244 = arith.constant 0 : i32
      %scan3A_245 = arith.constant 200 : i32
      %scan3A_246 = arith.addi %scan3A_244, %scan3A_245 : i32
      %scan3A_247 = arith.constant 1 : i32
      scf.for %scan3A_265 = %scan3A_244 to %scan3A_246 step %scan3A_247  : i32 {
        %get3A = arith.index_cast %scan3A_265 : i32 to index
        %get3A_266 = arith.constant 0 : index
        %get3A_267 = tpu.vector_load %arg6[%get3A, %get3A_266] {strides = array<i32>} : memref<200x64xf32, #tpu.memory_space<vmem>>, vector<1x16xf32>,
        %get3A_268 = vector.shape_cast %get3A_267 : vector<1x16xf32> to vector<16xf32>
        %add3A_269 = arith.constant 0 : i32
        %add3A_270 = arith.addi %add3A_269, %scan3A_265 : i32
        %get3A_271 = arith.constant 3 : i32
        %get3A_272 = arith.index_cast %get3A_271 : i32 to index
        %get3A_273 = arith.index_cast %add3A_270 : i32 to index
        %get3A_274 = arith.constant 0 : index
        %get3A_275 = tpu.vector_load %arg8[%get3A_272, %get3A_273, %get3A_274] {strides = array<i32>} : memref<4x400x64xf32, #tpu.memory_space<vmem>>, vector<1x1x16xf32>,
        %get3A_276 = vector.shape_cast %get3A_275 : vector<1x1x16xf32> to vector<16xf32>
        %add3A_277 = arith.addf %get3A_276, %get3A_268 : vector<16xf32>
        %swap3A = arith.constant 3 : i32
        %swap3A_278 = arith.index_cast %swap3A : i32 to index
        %swap3A_279 = arith.index_cast %add3A_270 : i32 to index
        %swap3A_280 = arith.constant 0 : index
        %swap3A_281 = tpu.vector_load %arg8[%swap3A_278, %swap3A_279, %swap3A_280] {strides = array<i32>} : memref<4x400x64xf32, #tpu.memory_space<vmem>>, vector<1x1x16xf32>,
        %swap3A_282 = vector.shape_cast %swap3A_281 : vector<1x1x16xf32> to vector<16xf32>
        %swap3A_283 = vector.shape_cast %add3A_277 : vector<16xf32> to vector<1x1x16xf32>
        tpu.vector_store %arg8[%swap3A_278, %swap3A_279, %swap3A_280], %swap3A_283 {strides = array<i32>} : memref<4x400x64xf32, #tpu.memory_space<vmem>>, vector<1x1x16xf32>,
        %add3A_284 = arith.constant 200 : i32
        %add3A_285 = arith.addi %add3A_284, %scan3A_265 : i32
        %get3A_286 = arith.constant 3 : i32
        %get3A_287 = arith.index_cast %get3A_286 : i32 to index
        %get3A_288 = arith.index_cast %add3A_285 : i32 to index
        %get3A_289 = arith.constant 0 : index
        %get3A_290 = tpu.vector_load %arg8[%get3A_287, %get3A_288, %get3A_289] {strides = array<i32>} : memref<4x400x64xf32, #tpu.memory_space<vmem>>, vector<1x1x16xf32>,
        %get3A_291 = vector.shape_cast %get3A_290 : vector<1x1x16xf32> to vector<16xf32>
        %add3A_292 = arith.addf %get3A_291, %get3A_268 : vector<16xf32>
        %swap3A_293 = arith.constant 3 : i32
        %swap3A_294 = arith.index_cast %swap3A_293 : i32 to index
        %swap3A_295 = arith.index_cast %add3A_285 : i32 to index
        %swap3A_296 = arith.constant 0 : index
        %swap3A_297 = tpu.vector_load %arg8[%swap3A_294, %swap3A_295, %swap3A_296] {strides = array<i32>} : memref<4x400x64xf32, #tpu.memory_space<vmem>>, vector<1x1x16xf32>,
        %swap3A_298 = vector.shape_cast %swap3A_297 : vector<1x1x16xf32> to vector<16xf32>
        %swap3A_299 = vector.shape_cast %add3A_292 : vector<16xf32> to vector<1x1x16xf32>
        tpu.vector_store %arg8[%swap3A_294, %swap3A_295, %swap3A_296], %swap3A_299 {strides = array<i32>} : memref<4x400x64xf32, #tpu.memory_space<vmem>>, vector<1x1x16xf32>,
        %get3A_300 = arith.index_cast %scan3A_265 : i32 to index
        %get3A_301 = arith.constant 16 : index
        %get3A_302 = tpu.vector_load %arg6[%get3A_300, %get3A_301] {strides = array<i32>} : memref<200x64xf32, #tpu.memory_space<vmem>>, vector<1x16xf32>,
        %get3A_303 = vector.shape_cast %get3A_302 : vector<1x16xf32> to vector<16xf32>
        %add3A_304 = arith.constant 0 : i32
        %add3A_305 = arith.addi %add3A_304, %scan3A_265 : i32
        %get3A_306 = arith.constant 3 : i32
        %get3A_307 = arith.index_cast %get3A_306 : i32 to index
        %get3A_308 = arith.index_cast %add3A_305 : i32 to index
        %get3A_309 = arith.constant 16 : index
        %get3A_310 = tpu.vector_load %arg8[%get3A_307, %get3A_308, %get3A_309] {strides = array<i32>} : memref<4x400x64xf32, #tpu.memory_space<vmem>>, vector<1x1x16xf32>,
        %get3A_311 = vector.shape_cast %get3A_310 : vector<1x1x16xf32> to vector<16xf32>
        %add3A_312 = arith.addf %get3A_311, %get3A_303 : vector<16xf32>
        %swap3A_313 = arith.constant 3 : i32
        %swap3A_314 = arith.index_cast %swap3A_313 : i32 to index
        %swap3A_315 = arith.index_cast %add3A_305 : i32 to index
        %swap3A_316 = arith.constant 16 : index
        %swap3A_317 = tpu.vector_load %arg8[%swap3A_314, %swap3A_315, %swap3A_316] {strides = array<i32>} : memref<4x400x64xf32, #tpu.memory_space<vmem>>, vector<1x1x16xf32>,
        %swap3A_318 = vector.shape_cast %swap3A_317 : vector<1x1x16xf32> to vector<16xf32>
        %swap3A_319 = vector.shape_cast %add3A_312 : vector<16xf32> to vector<1x1x16xf32>
        tpu.vector_store %arg8[%swap3A_314, %swap3A_315, %swap3A_316], %swap3A_319 {strides = array<i32>} : memref<4x400x64xf32, #tpu.memory_space<vmem>>, vector<1x1x16xf32>,
        %add3A_320 = arith.constant 200 : i32
        %add3A_321 = arith.addi %add3A_320, %scan3A_265 : i32
        %get3A_322 = arith.constant 3 : i32
        %get3A_323 = arith.index_cast %get3A_322 : i32 to index
        %get3A_324 = arith.index_cast %add3A_321 : i32 to index
        %get3A_325 = arith.constant 16 : index
        %get3A_326 = tpu.vector_load %arg8[%get3A_323, %get3A_324, %get3A_325] {strides = array<i32>} : memref<4x400x64xf32, #tpu.memory_space<vmem>>, vector<1x1x16xf32>,
        %get3A_327 = vector.shape_cast %get3A_326 : vector<1x1x16xf32> to vector<16xf32>
        %add3A_328 = arith.addf %get3A_327, %get3A_303 : vector<16xf32>
        %swap3A_329 = arith.constant 3 : i32
        %swap3A_330 = arith.index_cast %swap3A_329 : i32 to index
        %swap3A_331 = arith.index_cast %add3A_321 : i32 to index
        %swap3A_332 = arith.constant 16 : index
        %swap3A_333 = tpu.vector_load %arg8[%swap3A_330, %swap3A_331, %swap3A_332] {strides = array<i32>} : memref<4x400x64xf32, #tpu.memory_space<vmem>>, vector<1x1x16xf32>,
        %swap3A_334 = vector.shape_cast %swap3A_333 : vector<1x1x16xf32> to vector<16xf32>
        %swap3A_335 = vector.shape_cast %add3A_328 : vector<16xf32> to vector<1x1x16xf32>
        tpu.vector_store %arg8[%swap3A_330, %swap3A_331, %swap3A_332], %swap3A_335 {strides = array<i32>} : memref<4x400x64xf32, #tpu.memory_space<vmem>>, vector<1x1x16xf32>,
        %get3A_336 = arith.index_cast %scan3A_265 : i32 to index
        %get3A_337 = arith.constant 32 : index
        %get3A_338 = tpu.vector_load %arg6[%get3A_336, %get3A_337] {strides = array<i32>} : memref<200x64xf32, #tpu.memory_space<vmem>>, vector<1x16xf32>,
        %get3A_339 = vector.shape_cast %get3A_338 : vector<1x16xf32> to vector<16xf32>
        %add3A_340 = arith.constant 0 : i32
        %add3A_341 = arith.addi %add3A_340, %scan3A_265 : i32
        %get3A_342 = arith.constant 3 : i32
        %get3A_343 = arith.index_cast %get3A_342 : i32 to index
        %get3A_344 = arith.index_cast %add3A_341 : i32 to index
        %get3A_345 = arith.constant 32 : index
        %get3A_346 = tpu.vector_load %arg8[%get3A_343, %get3A_344, %get3A_345] {strides = array<i32>} : memref<4x400x64xf32, #tpu.memory_space<vmem>>, vector<1x1x16xf32>,
        %get3A_347 = vector.shape_cast %get3A_346 : vector<1x1x16xf32> to vector<16xf32>
        %add3A_348 = arith.addf %get3A_347, %get3A_339 : vector<16xf32>
        %swap3A_349 = arith.constant 3 : i32
        %swap3A_350 = arith.index_cast %swap3A_349 : i32 to index
        %swap3A_351 = arith.index_cast %add3A_341 : i32 to index
        %swap3A_352 = arith.constant 32 : index
        %swap3A_353 = tpu.vector_load %arg8[%swap3A_350, %swap3A_351, %swap3A_352] {strides = array<i32>} : memref<4x400x64xf32, #tpu.memory_space<vmem>>, vector<1x1x16xf32>,
        %swap3A_354 = vector.shape_cast %swap3A_353 : vector<1x1x16xf32> to vector<16xf32>
        %swap3A_355 = vector.shape_cast %add3A_348 : vector<16xf32> to vector<1x1x16xf32>
        tpu.vector_store %arg8[%swap3A_350, %swap3A_351, %swap3A_352], %swap3A_355 {strides = array<i32>} : memref<4x400x64xf32, #tpu.memory_space<vmem>>, vector<1x1x16xf32>,
        %add3A_356 = arith.constant 200 : i32
        %add3A_357 = arith.addi %add3A_356, %scan3A_265 : i32
        %get3A_358 = arith.constant 3 : i32
        %get3A_359 = arith.index_cast %get3A_358 : i32 to index
        %get3A_360 = arith.index_cast %add3A_357 : i32 to index
        %get3A_361 = arith.constant 32 : index
        %get3A_362 = tpu.vector_load %arg8[%get3A_359, %get3A_360, %get3A_361] {strides = array<i32>} : memref<4x400x64xf32, #tpu.memory_space<vmem>>, vector<1x1x16xf32>,
        %get3A_363 = vector.shape_cast %get3A_362 : vector<1x1x16xf32> to vector<16xf32>
        %add3A_364 = arith.addf %get3A_363, %get3A_339 : vector<16xf32>
        %swap3A_365 = arith.constant 3 : i32
        %swap3A_366 = arith.index_cast %swap3A_365 : i32 to index
        %swap3A_367 = arith.index_cast %add3A_357 : i32 to index
        %swap3A_368 = arith.constant 32 : index
        %swap3A_369 = tpu.vector_load %arg8[%swap3A_366, %swap3A_367, %swap3A_368] {strides = array<i32>} : memref<4x400x64xf32, #tpu.memory_space<vmem>>, vector<1x1x16xf32>,
        %swap3A_370 = vector.shape_cast %swap3A_369 : vector<1x1x16xf32> to vector<16xf32>
        %swap3A_371 = vector.shape_cast %add3A_364 : vector<16xf32> to vector<1x1x16xf32>
        tpu.vector_store %arg8[%swap3A_366, %swap3A_367, %swap3A_368], %swap3A_371 {strides = array<i32>} : memref<4x400x64xf32, #tpu.memory_space<vmem>>, vector<1x1x16xf32>,
        %get3A_372 = arith.index_cast %scan3A_265 : i32 to index
        %get3A_373 = arith.constant 48 : index
        %get3A_374 = tpu.vector_load %arg6[%get3A_372, %get3A_373] {strides = array<i32>} : memref<200x64xf32, #tpu.memory_space<vmem>>, vector<1x16xf32>,
        %get3A_375 = vector.shape_cast %get3A_374 : vector<1x16xf32> to vector<16xf32>
        %add3A_376 = arith.constant 0 : i32
        %add3A_377 = arith.addi %add3A_376, %scan3A_265 : i32
        %get3A_378 = arith.constant 3 : i32
        %get3A_379 = arith.index_cast %get3A_378 : i32 to index
        %get3A_380 = arith.index_cast %add3A_377 : i32 to index
        %get3A_381 = arith.constant 48 : index
        %get3A_382 = tpu.vector_load %arg8[%get3A_379, %get3A_380, %get3A_381] {strides = array<i32>} : memref<4x400x64xf32, #tpu.memory_space<vmem>>, vector<1x1x16xf32>,
        %get3A_383 = vector.shape_cast %get3A_382 : vector<1x1x16xf32> to vector<16xf32>
        %add3A_384 = arith.addf %get3A_383, %get3A_375 : vector<16xf32>
        %swap3A_385 = arith.constant 3 : i32
        %swap3A_386 = arith.index_cast %swap3A_385 : i32 to index
        %swap3A_387 = arith.index_cast %add3A_377 : i32 to index
        %swap3A_388 = arith.constant 48 : index
        %swap3A_389 = tpu.vector_load %arg8[%swap3A_386, %swap3A_387, %swap3A_388] {strides = array<i32>} : memref<4x400x64xf32, #tpu.memory_space<vmem>>, vector<1x1x16xf32>,
        %swap3A_390 = vector.shape_cast %swap3A_389 : vector<1x1x16xf32> to vector<16xf32>
        %swap3A_391 = vector.shape_cast %add3A_384 : vector<16xf32> to vector<1x1x16xf32>
        tpu.vector_store %arg8[%swap3A_386, %swap3A_387, %swap3A_388], %swap3A_391 {strides = array<i32>} : memref<4x400x64xf32, #tpu.memory_space<vmem>>, vector<1x1x16xf32>,
        %add3A_392 = arith.constant 200 : i32
        %add3A_393 = arith.addi %add3A_392, %scan3A_265 : i32
        %get3A_394 = arith.constant 3 : i32
        %get3A_395 = arith.index_cast %get3A_394 : i32 to index
        %get3A_396 = arith.index_cast %add3A_393 : i32 to index
        %get3A_397 = arith.constant 48 : index
        %get3A_398 = tpu.vector_load %arg8[%get3A_395, %get3A_396, %get3A_397] {strides = array<i32>} : memref<4x400x64xf32, #tpu.memory_space<vmem>>, vector<1x1x16xf32>,
        %get3A_399 = vector.shape_cast %get3A_398 : vector<1x1x16xf32> to vector<16xf32>
        %add3A_400 = arith.addf %get3A_399, %get3A_375 : vector<16xf32>
        %swap3A_401 = arith.constant 3 : i32
        %swap3A_402 = arith.index_cast %swap3A_401 : i32 to index
        %swap3A_403 = arith.index_cast %add3A_393 : i32 to index
        %swap3A_404 = arith.constant 48 : index
        %swap3A_405 = tpu.vector_load %arg8[%swap3A_402, %swap3A_403, %swap3A_404] {strides = array<i32>} : memref<4x400x64xf32, #tpu.memory_space<vmem>>, vector<1x1x16xf32>,
        %swap3A_406 = vector.shape_cast %swap3A_405 : vector<1x1x16xf32> to vector<16xf32>
        %swap3A_407 = vector.shape_cast %add3A_400 : vector<16xf32> to vector<1x1x16xf32>
        tpu.vector_store %arg8[%swap3A_402, %swap3A_403, %swap3A_404], %swap3A_407 {strides = array<i32>} : memref<4x400x64xf32, #tpu.memory_space<vmem>>, vector<1x1x16xf32>,
      }
      %scan3A_248 = arith.constant 200 : i32
      %mul3A_249 = arith.constant 400 : i32
      %mul3A_250 = arith.muli %add3A_223, %mul3A_249 : i32
      %add3A_251 = arith.addi %mul3A_2, %mul3A_250 : i32
      %dma_start3A_252 = arith.constant 3 : i32
      %dma_start3A_253 = arith.constant 0 : i32
      %dma_start3A_254 = arith.constant 0 : i32
      %dma_start3A_255 = tpu.memref_slice %arg8[%dma_start3A_252, %dma_start3A_253, %dma_start3A_254] : memref<4x400x64xf32, #tpu.memory_space<vmem>> -> memref<1x400x64xf32, #tpu.memory_space<vmem>>
      %dma_start3A_256 = tpu.memref_squeeze %dma_start3A_255 : memref<1x400x64xf32, #tpu.memory_space<vmem>> -> memref<400x64xf32, #tpu.memory_space<vmem>>
      %dma_start3A_257 = arith.constant 0 : i32
      %dma_start3A_258 = tpu.memref_slice %arg5[%add3A_251, %dma_start3A_257] : memref<819200x64xf32, #tpu.memory_space<hbm>> -> memref<400x64xf32, #tpu.memory_space<hbm>>
      %dma_start3A_259 = arith.constant 0 : i32
      %dma_start3A_260 = tpu.memref_slice %arg5[%add3A_251, %dma_start3A_259] : memref<819200x64xf32, #tpu.memory_space<hbm>> -> memref<400x64xf32, #tpu.memory_space<hbm>>
      %dma_start3A_261 = arith.constant 0 : i32
      %dma_start3A_262 = arith.constant 0 : i32
      %dma_start3A_263 = tpu.memref_slice %arg8[%dma_start3A_252, %dma_start3A_261, %dma_start3A_262] : memref<4x400x64xf32, #tpu.memory_space<vmem>> -> memref<1x400x64xf32, #tpu.memory_space<vmem>>
      %dma_start3A_264 = tpu.memref_squeeze %dma_start3A_263 : memref<1x400x64xf32, #tpu.memory_space<vmem>> -> memref<400x64xf32, #tpu.memory_space<vmem>>
      tpu.enqueue_dma source(%dma_start3A_264 : memref<400x64xf32, #tpu.memory_space<vmem>>) target(%dma_start3A_260 : memref<400x64xf32, #tpu.memory_space<hbm>>) target_semaphore(%arg16 : memref<!tpu.dma_semaphore, #tpu.memory_space<semaphore_mem>>)
    }
    %scan3A_35 = arith.constant 16 : i32
    %dma_wait3A = arith.constant 0 : i32
    %dma_wait3A_36 = arith.constant 0 : i32
    %dma_wait3A_37 = arith.constant 0 : i32
    %dma_wait3A_38 = tpu.memref_slice %arg8[%dma_wait3A, %dma_wait3A_36, %dma_wait3A_37] : memref<4x400x64xf32, #tpu.memory_space<vmem>> -> memref<1x400x64xf32, #tpu.memory_space<vmem>>
    %dma_wait3A_39 = tpu.memref_squeeze %dma_wait3A_38 : memref<1x400x64xf32, #tpu.memory_space<vmem>> -> memref<400x64xf32, #tpu.memory_space<vmem>>
    %dma_wait3A_40 = arith.constant 0 : i32
    %dma_wait3A_41 = tpu.memref_slice %arg5[%mul3A_2, %dma_wait3A_40] : memref<819200x64xf32, #tpu.memory_space<hbm>> -> memref<400x64xf32, #tpu.memory_space<hbm>>
    %dma_wait3A_42 = arith.constant 0 : i32
    %dma_wait3A_43 = tpu.memref_slice %arg5[%mul3A_2, %dma_wait3A_42] : memref<819200x64xf32, #tpu.memory_space<hbm>> -> memref<400x64xf32, #tpu.memory_space<hbm>>
    %dma_wait3A_44 = arith.constant 0 : i32
    %dma_wait3A_45 = arith.constant 0 : i32
    %dma_wait3A_46 = tpu.memref_slice %arg8[%dma_wait3A, %dma_wait3A_44, %dma_wait3A_45] : memref<4x400x64xf32, #tpu.memory_space<vmem>> -> memref<1x400x64xf32, #tpu.memory_space<vmem>>
    %dma_wait3A_47 = tpu.memref_squeeze %dma_wait3A_46 : memref<1x400x64xf32, #tpu.memory_space<vmem>> -> memref<400x64xf32, #tpu.memory_space<vmem>>
    tpu.wait_dma2 semaphore(%arg13 : memref<!tpu.dma_semaphore, #tpu.memory_space<semaphore_mem>>) src(%dma_wait3A_47 : memref<400x64xf32, #tpu.memory_space<vmem>>) dst(%dma_wait3A_43 : memref<400x64xf32, #tpu.memory_space<hbm>>)
    %dma_wait3A_48 = arith.constant 1 : i32
    %dma_wait3A_49 = arith.constant 0 : i32
    %dma_wait3A_50 = arith.constant 0 : i32
    %dma_wait3A_51 = tpu.memref_slice %arg8[%dma_wait3A_48, %dma_wait3A_49, %dma_wait3A_50] : memref<4x400x64xf32, #tpu.memory_space<vmem>> -> memref<1x400x64xf32, #tpu.memory_space<vmem>>
    %dma_wait3A_52 = tpu.memref_squeeze %dma_wait3A_51 : memref<1x400x64xf32, #tpu.memory_space<vmem>> -> memref<400x64xf32, #tpu.memory_space<vmem>>
    %dma_wait3A_53 = arith.constant 0 : i32
    %dma_wait3A_54 = tpu.memref_slice %arg5[%mul3A_2, %dma_wait3A_53] : memref<819200x64xf32, #tpu.memory_space<hbm>> -> memref<400x64xf32, #tpu.memory_space<hbm>>
    %dma_wait3A_55 = arith.constant 0 : i32
    %dma_wait3A_56 = tpu.memref_slice %arg5[%mul3A_2, %dma_wait3A_55] : memref<819200x64xf32, #tpu.memory_space<hbm>> -> memref<400x64xf32, #tpu.memory_space<hbm>>
    %dma_wait3A_57 = arith.constant 0 : i32
    %dma_wait3A_58 = arith.constant 0 : i32
    %dma_wait3A_59 = tpu.memref_slice %arg8[%dma_wait3A_48, %dma_wait3A_57, %dma_wait3A_58] : memref<4x400x64xf32, #tpu.memory_space<vmem>> -> memref<1x400x64xf32, #tpu.memory_space<vmem>>
    %dma_wait3A_60 = tpu.memref_squeeze %dma_wait3A_59 : memref<1x400x64xf32, #tpu.memory_space<vmem>> -> memref<400x64xf32, #tpu.memory_space<vmem>>
    tpu.wait_dma2 semaphore(%arg14 : memref<!tpu.dma_semaphore, #tpu.memory_space<semaphore_mem>>) src(%dma_wait3A_60 : memref<400x64xf32, #tpu.memory_space<vmem>>) dst(%dma_wait3A_56 : memref<400x64xf32, #tpu.memory_space<hbm>>)
    %dma_wait3A_61 = arith.constant 2 : i32
    %dma_wait3A_62 = arith.constant 0 : i32
    %dma_wait3A_63 = arith.constant 0 : i32
    %dma_wait3A_64 = tpu.memref_slice %arg8[%dma_wait3A_61, %dma_wait3A_62, %dma_wait3A_63] : memref<4x400x64xf32, #tpu.memory_space<vmem>> -> memref<1x400x64xf32, #tpu.memory_space<vmem>>
    %dma_wait3A_65 = tpu.memref_squeeze %dma_wait3A_64 : memref<1x400x64xf32, #tpu.memory_space<vmem>> -> memref<400x64xf32, #tpu.memory_space<vmem>>
    %dma_wait3A_66 = arith.constant 0 : i32
    %dma_wait3A_67 = tpu.memref_slice %arg5[%mul3A_2, %dma_wait3A_66] : memref<819200x64xf32, #tpu.memory_space<hbm>> -> memref<400x64xf32, #tpu.memory_space<hbm>>
    %dma_wait3A_68 = arith.constant 0 : i32
    %dma_wait3A_69 = tpu.memref_slice %arg5[%mul3A_2, %dma_wait3A_68] : memref<819200x64xf32, #tpu.memory_space<hbm>> -> memref<400x64xf32, #tpu.memory_space<hbm>>
    %dma_wait3A_70 = arith.constant 0 : i32
    %dma_wait3A_71 = arith.constant 0 : i32
    %dma_wait3A_72 = tpu.memref_slice %arg8[%dma_wait3A_61, %dma_wait3A_70, %dma_wait3A_71] : memref<4x400x64xf32, #tpu.memory_space<vmem>> -> memref<1x400x64xf32, #tpu.memory_space<vmem>>
    %dma_wait3A_73 = tpu.memref_squeeze %dma_wait3A_72 : memref<1x400x64xf32, #tpu.memory_space<vmem>> -> memref<400x64xf32, #tpu.memory_space<vmem>>
    tpu.wait_dma2 semaphore(%arg15 : memref<!tpu.dma_semaphore, #tpu.memory_space<semaphore_mem>>) src(%dma_wait3A_73 : memref<400x64xf32, #tpu.memory_space<vmem>>) dst(%dma_wait3A_69 : memref<400x64xf32, #tpu.memory_space<hbm>>)
    %dma_wait3A_74 = arith.constant 3 : i32
    %dma_wait3A_75 = arith.constant 0 : i32
    %dma_wait3A_76 = arith.constant 0 : i32
    %dma_wait3A_77 = tpu.memref_slice %arg8[%dma_wait3A_74, %dma_wait3A_75, %dma_wait3A_76] : memref<4x400x64xf32, #tpu.memory_space<vmem>> -> memref<1x400x64xf32, #tpu.memory_space<vmem>>
    %dma_wait3A_78 = tpu.memref_squeeze %dma_wait3A_77 : memref<1x400x64xf32, #tpu.memory_space<vmem>> -> memref<400x64xf32, #tpu.memory_space<vmem>>
    %dma_wait3A_79 = arith.constant 0 : i32
    %dma_wait3A_80 = tpu.memref_slice %arg5[%mul3A_2, %dma_wait3A_79] : memref<819200x64xf32, #tpu.memory_space<hbm>> -> memref<400x64xf32, #tpu.memory_space<hbm>>
    %dma_wait3A_81 = arith.constant 0 : i32
    %dma_wait3A_82 = tpu.memref_slice %arg5[%mul3A_2, %dma_wait3A_81] : memref<819200x64xf32, #tpu.memory_space<hbm>> -> memref<400x64xf32, #tpu.memory_space<hbm>>
    %dma_wait3A_83 = arith.constant 0 : i32
    %dma_wait3A_84 = arith.constant 0 : i32
    %dma_wait3A_85 = tpu.memref_slice %arg8[%dma_wait3A_74, %dma_wait3A_83, %dma_wait3A_84] : memref<4x400x64xf32, #tpu.memory_space<vmem>> -> memref<1x400x64xf32, #tpu.memory_space<vmem>>
    %dma_wait3A_86 = tpu.memref_squeeze %dma_wait3A_85 : memref<1x400x64xf32, #tpu.memory_space<vmem>> -> memref<400x64xf32, #tpu.memory_space<vmem>>
    tpu.wait_dma2 semaphore(%arg16 : memref<!tpu.dma_semaphore, #tpu.memory_space<semaphore_mem>>) src(%dma_wait3A_86 : memref<400x64xf32, #tpu.memory_space<vmem>>) dst(%dma_wait3A_82 : memref<400x64xf32, #tpu.memory_space<hbm>>)
    return
  }
}

</mosaic_0001>

<sc_bundles>
// kernel: kernel.3.cloned.1.call-start
scs
__scs_entry_jumppad:
0x0: {  	(pc) =	sbr.rel $0x88, $3  }
0x1: {  	(tag) =	ssettag $0x0;
	lr =	simm.s32 $0x1  }
0x2: {  	[smem:$0x3F9E] =	sst lr;
	_ =	strace $0xD0000000  }
0x3: {  	_ = 	snop  }
0x4: {  	_ = 	snop  }
0x5: {  	_ = 	snop  }
0x6: {  	_ = 	snop  }
0x7: {  	_ = 	snop  }
__scs_overlays_trampoline_lowered:
0x8: {  	[smem:$0x3FAD] =	sst s0  }
0x9: {  	[smem:$0x3FAE] =	sst s1  }
0xa: {  	[smem:$0x3FAF] =	sst s2  }
0xb: {  	[smem:$0x3FB0] =	sst s3  }
0xc: {  	[smem:$0x3FB1] =	sst s4  }
0xd: {  	[smem:$0x3FB2] =	sst s5  }
0xe: {  	[smem:$0x3FB3] =	sst s6  }
0xf: {  	[smem:$0x3FB4] =	sst s7  }
0x10: {  	[smem:$0x3FB5] =	sst s8  }
0x11: {  	[smem:$0x3FB6] =	sst s9;
	s0 =	simm.s32 @!p0 $0x0  }
0x12: {  	s1 =	sld [smem:$0x3F9C];
	s0 =	simm.s32 @p0 $0x1  }
0x13: {  	[smem:$0x3FB7] =	sst s0;
	s0 =	simm.s32 @!p1 $0x0  }
0x14: {  	s2 =	sld [smem:$0x3F9B];
	s0 =	simm.s32 @p1 $0x1  }
0x15: {  	[smem:$0x3FB8] =	sst s0;
	s0 =	simm.s32 @!p2 $0x0  }
0x16: {  	s3 =	sld [smem:$0x3FDB];
	s0 =	simm.s32 @p2 $0x1  }
0x17: {  	s4 =	simm.s32 $0x1BF5;
	[smem:$0x3FBA] =	sst s0  }
0x18: {  	s0 =	sld [smem:$0x3F9D];
	_ =	swait.ge [sflag:s4], $0x0  }
0x19: {  	s7 =	sld [smem:$0x3F9E]  }
0x1a: {  	s8 =	sadd.s32 $0xFFFFE003, lr  }
0x1b: {  	s9 =	sadd.s32 $0xFFFFFEF7, lr;
	s5 =	simm.s32 $0xFFFFFFFF;
	p2 =	slt.u32 s8, $0xFFFFF086  }
0x1c: {  	p1 =	slt.u32 s9, $0xF7A;
	s5 =	simm.s32 @!p2 $0x0  }
0x1d: {  	s5 =	simm.s32 @p1 $0x1;
	p0 =	seq.s32 s7, s2  }
0x1e: {  	s7 =	smul.u32 @!p0 $0xF7A, s2;
	p2 =	seq.s32 @!p0 s5, $0x0  }
0x1f: {  	s9 =	smul.u32 $0xF7A, s1;
	s8 =	simm.s32 @!p0 $0x1BF5;
	p2 =	por !p2, p0  }
0x20: {  	[sflag:s8] =	ssyncset.s32 @!p0 $0xFFFFF086;
	s6 =	sadd.s32 @!p0 s3, s7;
	s7 =	simm.s32 @!p0 $0x108  }
0x21: {  	s3 =	sadd.s32 s3, s9;
	s6 =	sadd.s32 @!p0 $0x88, s6;
	s7 =	simm.s32 @p2 $0x1082  }
0x22: {  	[simem:s7], [sflag:s8] =	dma.local @!p0 [hbm:s6], $0xF7A  }
0x23: {  	s9 =	sor.u32 $0xD0000000, s2;
	s6 =	simm.s32 $0x108;
	_ =	swait.ge @!p0 [sflag:s8], $0x0  }
0x24: {  	s3 =	sadd.s32 $0x88, s3;
	s6 =	simm.s32 @!p1 $0x1082;
	[sflag:s4] =	ssyncset.s32 $0xFFFFF086  }
0x25: {  	[simem:s6], [sflag:s4] =	dma.local [hbm:s3], $0xF7A  }
0x26: {  	[smem:$0x3F9E] =	sst s1;
	(tag) =	ssettag s2;
	_ =	strace s9  }
0x27: {  	s1 =	sld [smem:$0x3FAE]  }
0x28: {  	s2 =	sld [smem:$0x3FAF]  }
0x29: {  	s4 =	sld [smem:$0x3FB1]  }
0x2a: {  	p0 =	seq.s32 s5, $0x0;
	s5 =	sld [smem:$0x3FB2]  }
0x2b: {  	s6 =	sld [smem:$0x3FB3]  }
0x2c: {  	s7 =	sld [smem:$0x3FB4]  }
0x2d: {  	s3 =	simm.s32 $0x108;
	s8 =	sld [smem:$0x3FB5]  }
0x2e: {  	s3 =	simm.s32 @!p0 $0x1082;
	s9 =	sld [smem:$0x3FB6]  }
0x2f: {  	lr =	sadd.s32 s0, s3;
	s0 =	sld [smem:$0x3FAD]  }
0x30: {  	s3 =	sld [smem:$0x3FB0]  }
0x31: {  	[smem:$0x3FB9] =	sst s10  }
0x32: {  	s10 =	sld [smem:$0x3FB7];
	_ =	sdelay $0x3  }
0x33: {  	p0 =	seq.s32 s10, $0x1;
	s10 =	sld [smem:$0x3FB9];
	_ =	sdelay $0x3  }
0x34: {  	[smem:$0x3FB9] =	sst s10  }
0x35: {  	s10 =	sld [smem:$0x3FB8];
	_ =	sdelay $0x3  }
0x36: {  	p1 =	seq.s32 s10, $0x1;
	s10 =	sld [smem:$0x3FB9];
	_ =	sdelay $0x3  }
0x37: {  	[smem:$0x3FB9] =	sst s10  }
0x38: {  	s10 =	sld [smem:$0x3FBA]  }
0x39: {  	_ = 	snop;
	(pc) =	sbr.ind lr, $3  }
0x3a: {  	_ = 	snop  }
0x3b: {  	_ = 	snop  }
0x3c: {  	p2 =	seq.s32 s10, $0x1;
	s10 =	sld [smem:$0x3FB9]  }
0x3d: {  	_ =	shalt  }
0x3e: {  	_ =	shalt  }
0x3f: {  	_ =	shalt  }
0x40: {  	_ =	shalt  }
0x41: {  	_ =	shalt  }
0x42: {  	_ =	shalt  }
0x43: {  	_ =	shalt  }
0x44: {  	_ =	shalt  }
0x45: {  	_ =	shalt  }
0x46: {  	_ =	shalt  }
0x47: {  	_ =	shalt  }
0x48: {  	_ =	shalt  }
0x49: {  	_ =	shalt  }
0x4a: {  	_ =	shalt  }
0x4b: {  	_ =	shalt  }
0x4c: {  	_ =	shalt  }
0x4d: {  	_ =	shalt  }
0x4e: {  	_ =	shalt  }
0x4f: {  	_ =	shalt  }
0x50: {  	_ =	shalt  }
0x51: {  	_ =	shalt  }
0x52: {  	_ =	shalt  }
0x53: {  	_ =	shalt  }
0x54: {  	_ =	shalt  }
0x55: {  	_ =	shalt  }
0x56: {  	_ =	shalt  }
0x57: {  	_ =	shalt  }
0x58: {  	_ =	shalt  }
0x59: {  	_ =	shalt  }
0x5a: {  	_ =	shalt  }
0x5b: {  	_ =	shalt  }
0x5c: {  	_ =	shalt  }
0x5d: {  	_ =	shalt  }
0x5e: {  	_ =	shalt  }
0x5f: {  	_ =	shalt  }
0x60: {  	_ =	shalt  }
0x61: {  	_ =	shalt  }
0x62: {  	_ =	shalt  }
0x63: {  	_ =	shalt  }
0x64: {  	_ =	shalt  }
0x65: {  	_ =	shalt  }
0x66: {  	_ =	shalt  }
0x67: {  	_ =	shalt  }
0x68: {  	_ =	shalt  }
0x69: {  	_ =	shalt  }
0x6a: {  	_ =	shalt  }
0x6b: {  	_ =	shalt  }
0x6c: {  	_ =	shalt  }
0x6d: {  	_ =	shalt  }
0x6e: {  	_ =	shalt  }
0x6f: {  	_ =	shalt  }
0x70: {  	_ =	shalt  }
0x71: {  	_ =	shalt  }
0x72: {  	_ =	shalt  }
0x73: {  	_ =	shalt  }
0x74: {  	_ =	shalt  }
0x75: {  	_ =	shalt  }
0x76: {  	_ =	shalt  }
0x77: {  	_ =	shalt  }
0x78: {  	_ =	shalt  }
0x79: {  	_ =	shalt  }
0x7a: {  	_ =	shalt  }
0x7b: {  	_ =	shalt  }
0x7c: {  	_ =	shalt  }
0x7d: {  	_ =	shalt  }
0x7e: {  	_ =	shalt  }
0x7f: {  	_ =	shalt  }
0x80: {  	_ =	shalt  }
0x81: {  	_ =	shalt  }
0x82: {  	_ =	shalt  }
0x83: {  	_ =	shalt  }
0x84: {  	_ =	shalt  }
0x85: {  	_ =	shalt  }
0x86: {  	_ =	shalt  }
0x87: {  	_ =	shalt  }
.Lfunc_end0:
.L_simem_size_0:
called_computation.1_lowered:
.L_overlay_start_0:
0x88: {  	s2 =	sld [smem:$0x3FD9]  }
0x89: {  	s3 =	sld [smem:$0x3FFE];
	_ =	sdelay $0x1  }
0x8a: {  	s1 =	srdreg.scid  }
0x8b: {  	s0 =	sand.u32 $0x1, s1  }
0x8c: {  	s17 =	sshll.u32 s0, $0xA;
	s2 =	sadd.s32 s3, s2  }
0x8d: {  	s2 =	sadd.s32 s2, s17  }
0x8e: {  	[smem:$0x3FC5] =	sst s2  }
0x8f: {  	_ = 	snop  }
0x90: {  	s2 =	sld [smem:$0x3FD0];
	(tm) =	ssettm $0x1  }
0x91: {  	s18 =	sld [smem:$0x3FFB];
	_ =	sdelay $0x3  }
0x92: {  	_ =	strace s18  }
0x93: {  	s3 =	sld [smem:$0x3FFC];
	_ =	sdelay $0x3  }
0x94: {  	_ =	strace s3  }
0x95: {  	s3 =	sld [smem:$0x3FFD];
	_ =	sdelay $0x3  }
0x96: {  	_ =	strace s3  }
0x97: {  	_ =	strace $0x8FFFFFFF  }
0x98: {  	s19 =	sld [smem:$0x3FDB];
	_ =	sdelay $0x1  }
0x99: {  	s4 =	simm.s32 $_scs_section_size  }
0x9a: {  	s5 =	simm.s32 $_size__tile_overlayer_lowered;
	s6 =	simm.s32 $_tile_overlayer_lowered  }
0x9b: {  	s22 =	simm.s32 $0x1BFF;
	s21 =	sshll.u32 s6, $0x1;
	s3 =	sadd.s32 s4, s19  }
0x9c: {  	s7 =	simm.s32 $0x0;
	s20 =	sshll.u32 s5, $0x1;
	s5 =	sadd.s32 s21, s3  }
0x9d: {  	[timem:s7], [sflag:s22] =	dma.local [hbm:s5], s20  }
0x9e: {  	_ =	swait.ge [sflag:s22], s20  }
0x9f: {  	s4 =	ssub.s32 $0x0, s20;
	[sflag:s22] =	ssyncset.done $0x0  }
0xa0: {  	[sflag:s22] =	ssyncadd.s32 s4;
	_ =	sdelay $0x1  }
0xa1: {  	s23 =	simm.s32 $0x1B8B  }
0xa2: {  	_ =	swait.ge [sflag:s23], $0x1  }
0xa3: {  	[sflag:s23] =	ssyncset.done $0x0  }
0xa4: {  	s25 =	simm.s32 $0x1B8E;
	s24 =	sld [smem:$0x3FFE];
	[sflag:s23] =	ssyncadd.s32 $0xFFFFFFFF  }
0xa5: {  	s26 =	simm.s32 $execute0_lowered;
	[smem:$0x3FD2] =	sst s25  }
0xa6: {  	s5 =	sshll.u32 s26, $0x1;
	_ =	strace $0x80000046;
	[dreg:$0x1] =	wrdreg $0xFFFFFFFF  }
0xa7: {  	s28 =	simm.s32 $_size_execute0_lowered;
	s3 =	sadd.s32 s3, s5;
	[dreg:$0x0] =	wrdreg $0x0  }
0xa8: {  	s5 =	sshll.u32 s28, $0x1;
	[dreg:$0x2] =	wrdreg s3  }
0xa9: {  	[dreg:$0x3] =	wrdreg s5  }
0xaa: {  	[dreg:$0x4] =	wrdreg $0xC0  }
0xab: {  	_ =	task [dreg:s7], $0x5FFFF  }
0xac: {  	[dreg:$0x1] =	wrdreg $0xFFFFFFFF  }
0xad: {  	[dreg:$0x0] =	wrdreg $0x60  }
0xae: {  	[dreg:$0x2] =	wrdreg s24  }
0xaf: {  	[dreg:$0x3] =	wrdreg s2  }
0xb0: {  	[dreg:$0x4] =	wrdreg $0x9  }
0xb1: {  	_ =	task.clear_ibuf [dreg:s7], $0x5FFFF;
	_ =	strace $0x90000046  }
0xb2: {  	s29 =	simm.s32 $0x9;
	_ =	strace $0x80000048  }
0xb3: {  	_ =	swait.ge [sflag:s29], $0x1  }
0xb4: {  	[sflag:s29] =	ssyncadd.s32 $0xFFFFFFFF  }
0xb5: {  	_ =	strace $0x90000048  }
0xb6: {  	_ =	sfence  }
0xb7: {  	s30 =	sld [smem:$0x0];
	_ =	sdelay $0x2  }
0xb8: {  	s31 =	sshll.u32 s1, $0xD;
	s1 =	sshrl.u32 s1, $0x2  }
0xb9: {  	s3 =	sand.u32 $0x4000, s31;
	s1 =	sadd.s32 s1, s30  }
0xba: {  	s0 =	sor.u32 s3, s0;
	s1 =	sshll.u32 s1, $0x11  }
0xbb: {  	s0 =	sor.u32 s1, s0  }
0xbc: {  	s0 =	sadd.s32 $0x8F2B, s0  }
0xbd: {  	[sflag:s0] =	ssyncadd.remote.s32 $0x1  }
0xbe: {  	_ =	sfence.sel $0xFFFF  }
0xbf: {  	[dreg:$0x0] =	wrdreg $0xFFFFFFFF;
	(pc) =	sbr.abs _section_cstart, $3  }
0xc0: {  	[dreg:$0x1] =	wrdreg $0xFFFFFFFF  }
0xc1: {  	_ =	task.clear_ibuf [dreg:s7], $0x2FFFF;
	_ =	strace $0x9FFFFFFF  }
0xc2: {  	(tm) =	ssettm $0x7FFFFFFF  }
0xc3: {  	_ =	shalt  }
tec
execute0_lowered:
.L_overlay_start_1:
0x0: {  	(tag) =	ssettag $0x1  }
0x1: {  	s0 =	rddreg [dreg:$0x0];
	s1 =	srdreg.scid  }
0x2: {  	s3 =	stileid.u32;
	s2 =	rddreg [dreg:$0x1];
	s16 =	simm.s32 $0x9  }
0x3: {  	s18 =	simm.s32 $0x190;
	s19 =	simm.s32 $0x3840;
	s21 =	simm.s32 $0x9C40  }
0x4: {  	s22 =	simm.s32 $0x3520;
	s23 =	simm.s32 $0x10040;
	s24 =	simm.s32 $0x1  }
0x5: {  	s25 =	simm.s32 $0x36B0;
	s28 =	simm.s32 $0x2;
	s29 =	simm.s32 $0x3  }
0x6: {  	s30 =	simm.s32 $0x4;
	s9 =	simm.s32 $0x0;
	s1 =	sand.u32 $0x1, s1  }
0x7: {  	s4 =	sshll.u32 s3, $0x1;
	s3 =	simm.s32 $0x0;
	s5 =	sadd.s32 $0x1000, s0  }
0x8: {  	s6 =	sadd.s32 $0x1A000, s0;
	s0 =	sadd.s32 $0x800, s0;
	s4 =	sor.u32 s1, s4  }
0x9: {  	[smem:$0x7FF] =	sst s3;
	s1 =	ssub.s32 $0x2, s1;
	s4 =	smul.u32 $0x6400, s4  }
0xa: {  	_ =	strace $0x80000047;
	[dreg:$0x3] =	wrdreg s0;
	s26 =	sshrl.u32 s1, $0x1  }
0xb: {  	s0 =	ssub.s32 s1, s26;
	s26 =	simm.s32 $0x16440;
	s7 =	sshrl.u32 s4, $0x3  }
0xc: {  	s10 =	sor.u32 $0x320, s4;
	s11 =	sadd.s32 $0x4B0, s4;
	s0 =	smax.u32 s0, $0x1  }
0xd: {  	s12 =	sor.u32 $0x190, s4;
	s7 =	sadd.s32 s5, s7;
	[dreg:$0x6] =	wrdreg s0  }
0xe: {  	s13 =	sadd.s32 $0x640, s4;
	[dreg:$0x4] =	wrdreg s7;
	s31 =	sadd.s32 $0x32, s7  }
0xf: {  	s14 =	sadd.s32 $0x7D0, s4;
	s7 =	simm.s32 $0x8;
	[dreg:$0x5] =	wrdreg s31  }
.LBB2_1:
0x10: {  	s0 =	rddreg [dreg:$0x3]  }
0x11: {  	[tilespmem:s3], [sflag:$0x9] =	stream.linear.gather [hbm4b:s0+s3], $0x3200, $0x38;
	[tilespmem:$0x1C840] =	vst v63  }
0x12: {  	_ =	swait.ge [sflag:s16], $0x3200  }
0x13: {  	[sflag:s16] =	ssyncset.done $0x0  }
0x14: {  	s1 =	simm.s32 $0x3200;
	s17 =	rddreg [dreg:$0x4];
	[sflag:s16] =	ssyncadd.s32 $0xFFFFCE00  }
0x15: {  	[tilespmem:s1], [sflag:$0x9] =	stream.linear.gather [hbm4b:s17+s3], $0x190, $0x38;
	[tilespmem:$0x1C840] =	vst v63  }
0x16: {  	_ =	swait.ge [sflag:s16], $0x190  }
0x17: {  	[sflag:s16] =	ssyncset.done $0x0  }
0x18: {  	[sflag:s16] =	ssyncadd.s32 $0xFFFFFE70  }
0x19: {  	[tilespmem:s19], [sflag:$0x1] =	stream.indirect.gather [hbm4b:s6+s18], $0x40, s1, s18, $0xb8;
	[tilespmem:$0x1C840] =	vst v63  }
0x1a: {  	s31 =	simm.s32 $0x3390;
	s20 =	rddreg [dreg:$0x5]  }
0x1b: {  	[tilespmem:s31], [sflag:$0x9] =	stream.linear.gather [hbm4b:s20+s3], $0x190, $0x38;
	[tilespmem:$0x1C840] =	vst v63  }
0x1c: {  	_ =	swait.ge [sflag:s16], $0x190  }
0x1d: {  	[sflag:s16] =	ssyncset.done $0x0  }
0x1e: {  	s17 =	simm.s32 $0x0;
	[sflag:s16] =	ssyncadd.s32 $0xFFFFFE70  }
0x1f: {  	[tilespmem:s21], [sflag:$0x2] =	stream.indirect.gather [hbm4b:s6+s18], $0x40, s31, s18, $0xb8;
	[tilespmem:$0x1C840] =	vst v63  }
.LBB2_2:
0x20: {  	p0 =	seq.s32 s17, $0x0;
	s20 =	smul.u32 $0x640, s17  }
0x21: {  	s1 =	simm.s32 @!p0 $0x7  }
0x22: {  	_ =	swait.ge @!p0 [sflag:s1], $0x6400;
	s8 =	sadd.s32 s20, s10  }
0x23: {  	[sflag:s1] =	ssyncset.done @!p0 $0x0;
	s15 =	sshrl.u32 s8, $0x3  }
0x24: {  	s0 =	simm.s32 $0x0;
	[sflag:s1] =	ssyncadd.s32 @!p0 $0xFFFF9C00;
	s15 =	sadd.s32 s5, s15  }
0x25: {  	[tilespmem:s22], [sflag:$0x9] =	stream.linear.gather [hbm4b:s15+s0], $0x190, $0x38;
	[tilespmem:$0x1C840] =	vst v63  }
0x26: {  	_ =	swait.ge [sflag:s16], $0x190  }
0x27: {  	[sflag:s16] =	ssyncset.done $0x0  }
0x28: {  	[sflag:s16] =	ssyncadd.s32 $0xFFFFFE70  }
0x29: {  	[tilespmem:s23], [sflag:$0x3] =	stream.indirect.gather [hbm4b:s6+s18], $0x40, s22, s18, $0xb8;
	[tilespmem:$0x1C840] =	vst v63  }
0x2a: {  	_ =	swait.ge [sflag:s24], $0x6400  }
0x2b: {  	[sflag:s24] =	ssyncset.done $0x0  }
0x2c: {  	s15 =	simm.s32 $0x0;
	[sflag:s24] =	ssyncadd.s32 $0xFFFF9C00  }
0x2d: {  	v3 =	vld [tilespmem:s15+$0x0]  }
0x2e: {  	v1 =	vld [tilespmem:s15+$0x10]  }
0x2f: {  	v0 =	vld [tilespmem:s15+$0x20]  }
0x30: {  	v2 =	vld [tilespmem:s15+$0x30]  }
0x31: {  	v8 =	vld [tilespmem:s15+$0x3840]  }
0x32: {  	v10 =	vld [tilespmem:s15+$0x6A40]  }
0x33: {  	v7 =	vld [tilespmem:s15+$0x3850]  }
0x34: {  	v6 =	vld [tilespmem:s15+$0x6A50]  }
0x35: {  	v4 =	vld [tilespmem:s15+$0x3860]  }
0x36: {  	v5 =	vld [tilespmem:s15+$0x6A60];
	v9 =	vadd.f32 v8, v3  }
0x37: {  	s31 =	simm.s32 $0x100;
	v8 =	vadd.f32 v10, v3;
	v3 =	vld [tilespmem:s15+$0x3870]  }
.LBB2_3:
0x38: {  	s1 =	sshra.s32 s31, $0x2;
	p1 =	sne.s32 s31, $0xC700;
	[tilespmem:s15+$0x3840] =	vst v9;
	v7 =	vadd.f32 v7, v1;
	v9 =	vld [tilespmem:s15+$0x6A70]  }
0x39: {  	v10 =	vld [tilespmem:s1+$0x0];
	[tilespmem:s15+$0x6A40] =	vst v8;
	v6 =	vadd.f32 v6, v1  }
0x3a: {  	v1 =	vld [tilespmem:s1+$0x10];
	[tilespmem:s15+$0x3850] =	vst v7;
	v4 =	vadd.f32 v4, v0  }
0x3b: {  	[tilespmem:s15+$0x6A50] =	vst v6;
	v5 =	vadd.f32 v5, v0;
	v0 =	vld [tilespmem:s1+$0x20]  }
0x3c: {  	v8 =	vld [tilespmem:s1+$0x30];
	[tilespmem:s15+$0x3860] =	vst v4;
	v3 =	vadd.f32 v3, v2  }
0x3d: {  	v11 =	vld [tilespmem:s1+$0x3840];
	[tilespmem:s15+$0x6A60] =	vst v5;
	v2 =	vadd.f32 v9, v2  }
0x3e: {  	v12 =	vld [tilespmem:s1+$0x6A40];
	[tilespmem:s15+$0x3870] =	vst v3  }
.Ltmp0:
0x3f: {  	v7 =	vld [tilespmem:s1+$0x3850];
	[tilespmem:s15+$0x6A70] =	vst v2;
	s15 =	smov.u32 s1;
	(pc) =	sbr.rel @p1 .LBB2_3-.Ltmp0, $4  }
0x40: {  	v6 =	vld [tilespmem:s15+$0x6A50]  }
0x41: {  	v4 =	vld [tilespmem:s15+$0x3860];
	v2 =	vmov v8  }
0x42: {  	v9 =	vadd.f32 v11, v10;
	v5 =	vld [tilespmem:s15+$0x6A60]  }
0x43: {  	s31 =	sadd.s32 $0x100, s31;
	v8 =	vadd.f32 v12, v10;
	v3 =	vld [tilespmem:s15+$0x3870]  }
0x44: {  	[tilespmem:s15+$0x3840] =	vst v9;
	v7 =	vadd.f32 v7, v1;
	v9 =	vld [tilespmem:s15+$0x6A70]  }
0x45: {  	[tilespmem:s15+$0x6A40] =	vst v8;
	v1 =	vadd.f32 v6, v1  }
0x46: {  	[tilespmem:s15+$0x3850] =	vst v7;
	v4 =	vadd.f32 v4, v0  }
0x47: {  	[tilespmem:s15+$0x6A50] =	vst v1;
	v0 =	vadd.f32 v5, v0  }
0x48: {  	[tilespmem:s15+$0x3860] =	vst v4;
	v1 =	vadd.f32 v3, v2  }
0x49: {  	s1 =	sadd.s32 s4, s20;
	[tilespmem:s15+$0x6A60] =	vst v0;
	v0 =	vadd.f32 v9, v2  }
0x4a: {  	s1 =	sshll.u32 s1, $0x3;
	[tilespmem:s15+$0x3870] =	vst v1  }
0x4b: {  	s1 =	sadd.s32 s2, s1;
	[tilespmem:s15+$0x6A70] =	vst v0  }
0x4c: {  	[hbm4b:s1+s3] =	stream.linear.scatter [tilespmem:s19], [sflag:$0x5], $0x6400, $0x38;
	[tilespmem:$0x1C840] =	vst v63  }
0x4d: {  	s1 =	simm.s32 @!p0 $0x8  }
0x4e: {  	s15 =	sadd.s32 s20, s11;
	_ =	swait.ge @!p0 [sflag:s1], $0x6400  }
0x4f: {  	s31 =	sshrl.u32 s15, $0x3;
	[sflag:s1] =	ssyncset.done @!p0 $0x0  }
0x50: {  	s0 =	sadd.s32 s5, s31;
	s31 =	simm.s32 $0x0;
	[sflag:s1] =	ssyncadd.s32 @!p0 $0xFFFF9C00  }
0x51: {  	[tilespmem:s25], [sflag:$0x9] =	stream.linear.gather [hbm4b:s0+s31], $0x190, $0x38;
	[tilespmem:$0x1C840] =	vst v63  }
0x52: {  	_ =	swait.ge [sflag:s16], $0x190  }
0x53: {  	[sflag:s16] =	ssyncset.done $0x0  }
0x54: {  	[sflag:s16] =	ssyncadd.s32 $0xFFFFFE70  }
0x55: {  	[tilespmem:s26], [sflag:$0x4] =	stream.indirect.gather [hbm4b:s6+s18], $0x40, s25, s18, $0xb8;
	[tilespmem:$0x1C840] =	vst v63  }
0x56: {  	_ =	swait.ge [sflag:s28], $0x6400  }
0x57: {  	[sflag:s28] =	ssyncset.done $0x0  }
0x58: {  	s31 =	simm.s32 $0x0;
	[sflag:s28] =	ssyncadd.s32 $0xFFFF9C00  }
0x59: {  	v3 =	vld [tilespmem:s31+$0x0]  }
0x5a: {  	v1 =	vld [tilespmem:s31+$0x10]  }
0x5b: {  	v0 =	vld [tilespmem:s31+$0x20]  }
0x5c: {  	v2 =	vld [tilespmem:s31+$0x30]  }
0x5d: {  	v8 =	vld [tilespmem:s31+$0x9C40]  }
0x5e: {  	v10 =	vld [tilespmem:s31+$0xCE40]  }
0x5f: {  	v7 =	vld [tilespmem:s31+$0x9C50]  }
0x60: {  	v6 =	vld [tilespmem:s31+$0xCE50]  }
0x61: {  	v4 =	vld [tilespmem:s31+$0x9C60]  }
0x62: {  	v5 =	vld [tilespmem:s31+$0xCE60];
	v9 =	vadd.f32 v8, v3  }
0x63: {  	s1 =	simm.s32 $0x100;
	v8 =	vadd.f32 v10, v3;
	v3 =	vld [tilespmem:s31+$0x9C70]  }
.LBB2_5:
0x64: {  	s0 =	sshra.s32 s1, $0x2;
	p0 =	sne.s32 s1, $0xC700;
	[tilespmem:s31+$0x9C40] =	vst v9;
	v7 =	vadd.f32 v7, v1;
	v9 =	vld [tilespmem:s31+$0xCE70]  }
0x65: {  	v10 =	vld [tilespmem:s0+$0x0];
	[tilespmem:s31+$0xCE40] =	vst v8;
	v6 =	vadd.f32 v6, v1  }
0x66: {  	v1 =	vld [tilespmem:s0+$0x10];
	[tilespmem:s31+$0x9C50] =	vst v7;
	v4 =	vadd.f32 v4, v0  }
0x67: {  	[tilespmem:s31+$0xCE50] =	vst v6;
	v5 =	vadd.f32 v5, v0;
	v0 =	vld [tilespmem:s0+$0x20]  }
0x68: {  	v8 =	vld [tilespmem:s0+$0x30];
	[tilespmem:s31+$0x9C60] =	vst v4;
	v3 =	vadd.f32 v3, v2  }
0x69: {  	v11 =	vld [tilespmem:s0+$0x9C40];
	[tilespmem:s31+$0xCE60] =	vst v5;
	v2 =	vadd.f32 v9, v2  }
0x6a: {  	v12 =	vld [tilespmem:s0+$0xCE40];
	[tilespmem:s31+$0x9C70] =	vst v3  }
.Ltmp1:
0x6b: {  	v7 =	vld [tilespmem:s0+$0x9C50];
	[tilespmem:s31+$0xCE70] =	vst v2;
	s31 =	smov.u32 s0;
	(pc) =	sbr.rel @p0 .LBB2_5-.Ltmp1, $4  }
0x6c: {  	v6 =	vld [tilespmem:s31+$0xCE50]  }
0x6d: {  	v4 =	vld [tilespmem:s31+$0x9C60];
	v2 =	vmov v8  }
0x6e: {  	v9 =	vadd.f32 v11, v10;
	v5 =	vld [tilespmem:s31+$0xCE60]  }
0x6f: {  	s1 =	sadd.s32 $0x100, s1;
	v8 =	vadd.f32 v12, v10;
	v3 =	vld [tilespmem:s31+$0x9C70]  }
0x70: {  	[tilespmem:s31+$0x9C40] =	vst v9;
	v7 =	vadd.f32 v7, v1;
	v9 =	vld [tilespmem:s31+$0xCE70]  }
0x71: {  	[tilespmem:s31+$0xCE40] =	vst v8;
	v1 =	vadd.f32 v6, v1  }
0x72: {  	[tilespmem:s31+$0x9C50] =	vst v7;
	v4 =	vadd.f32 v4, v0  }
0x73: {  	[tilespmem:s31+$0xCE50] =	vst v1;
	v0 =	vadd.f32 v5, v0  }
0x74: {  	s0 =	sadd.s32 s20, s12;
	[tilespmem:s31+$0x9C60] =	vst v4;
	v1 =	vadd.f32 v3, v2  }
0x75: {  	s0 =	sshll.u32 s0, $0x3;
	[tilespmem:s31+$0xCE60] =	vst v0;
	v0 =	vadd.f32 v9, v2  }
0x76: {  	s0 =	sand.u32 $0x1FFFFE80, s0;
	[tilespmem:s31+$0x9C70] =	vst v1  }
0x77: {  	p0 =	seq.s32 s17, $0xF;
	s0 =	sadd.s32 s2, s0;
	[tilespmem:s31+$0xCE70] =	vst v0  }
0x78: {  	[hbm4b:s0+s3] =	stream.linear.scatter [tilespmem:s21], [sflag:$0x6], $0x6400, $0x38;
	[tilespmem:$0x1C840] =	vst v63  }
0x79: {  	s0 =	simm.s32 @!p0 $0x5  }
0x7a: {  	_ =	swait.ge @!p0 [sflag:s0], $0x6400  }
0x7b: {  	s1 =	sadd.s32 @!p0 s20, s13;
	[sflag:s0] =	ssyncset.done @!p0 $0x0  }
0x7c: {  	[sflag:s0] =	ssyncadd.s32 @!p0 $0xFFFF9C00;
	s0 =	sshrl.u32 @!p0 s1, $0x3  }
0x7d: {  	s31 =	simm.s32 @!p0 $0x3200;
	s1 =	simm.s32 @!p0 $0x0;
	s0 =	sadd.s32 @!p0 s5, s0  }
0x7e: {  	[tilespmem:s31], [sflag:$0x9] =	stream.linear.gather @!p0 [hbm4b:s0+s1], $0x190, $0x38;
	[tilespmem:$0x1C840] =	vst v63  }
0x7f: {  	s0 =	simm.s32 @!p0 $0x9  }
0x80: {  	_ =	swait.ge @!p0 [sflag:s0], $0x190  }
0x81: {  	[sflag:s0] =	ssyncset.done @!p0 $0x0  }
0x82: {  	s1 =	simm.s32 @!p0 $0x3840;
	[sflag:s0] =	ssyncadd.s32 @!p0 $0xFFFFFE70;
	s0 =	simm.s32 @!p0 $0x190  }
0x83: {  	[tilespmem:s1], [sflag:$0x1] =	stream.indirect.gather @!p0 [hbm4b:s6+s0], $0x40, s31, s0, $0xb8;
	[tilespmem:$0x1C840] =	vst v63  }
0x84: {  	_ =	swait.ge [sflag:s29], $0x6400  }
0x85: {  	[sflag:s29] =	ssyncset.done $0x0  }
0x86: {  	s31 =	simm.s32 $0x0;
	[sflag:s29] =	ssyncadd.s32 $0xFFFF9C00  }
0x87: {  	v3 =	vld [tilespmem:s31+$0x0]  }
0x88: {  	v1 =	vld [tilespmem:s31+$0x10]  }
0x89: {  	v0 =	vld [tilespmem:s31+$0x20]  }
0x8a: {  	v2 =	vld [tilespmem:s31+$0x30]  }
0x8b: {  	v8 =	vld [tilespmem:s31+$0x10040]  }
0x8c: {  	v10 =	vld [tilespmem:s31+$0x13240]  }
0x8d: {  	v7 =	vld [tilespmem:s31+$0x10050]  }
0x8e: {  	v6 =	vld [tilespmem:s31+$0x13250]  }
0x8f: {  	v4 =	vld [tilespmem:s31+$0x10060]  }
0x90: {  	v5 =	vld [tilespmem:s31+$0x13260];
	v9 =	vadd.f32 v8, v3  }
0x91: {  	s1 =	simm.s32 $0x100;
	v8 =	vadd.f32 v10, v3;
	v3 =	vld [tilespmem:s31+$0x10070]  }
.LBB2_7:
0x92: {  	s0 =	sshra.s32 s1, $0x2;
	p1 =	sne.s32 s1, $0xC700;
	[tilespmem:s31+$0x10040] =	vst v9;
	v7 =	vadd.f32 v7, v1;
	v9 =	vld [tilespmem:s31+$0x13270]  }
0x93: {  	v10 =	vld [tilespmem:s0+$0x0];
	[tilespmem:s31+$0x13240] =	vst v8;
	v6 =	vadd.f32 v6, v1  }
0x94: {  	v1 =	vld [tilespmem:s0+$0x10];
	[tilespmem:s31+$0x10050] =	vst v7;
	v4 =	vadd.f32 v4, v0  }
0x95: {  	[tilespmem:s31+$0x13250] =	vst v6;
	v5 =	vadd.f32 v5, v0;
	v0 =	vld [tilespmem:s0+$0x20]  }
0x96: {  	v8 =	vld [tilespmem:s0+$0x30];
	[tilespmem:s31+$0x10060] =	vst v4;
	v3 =	vadd.f32 v3, v2  }
0x97: {  	v11 =	vld [tilespmem:s0+$0x10040];
	[tilespmem:s31+$0x13260] =	vst v5;
	v2 =	vadd.f32 v9, v2  }
0x98: {  	v12 =	vld [tilespmem:s0+$0x13240];
	[tilespmem:s31+$0x10070] =	vst v3  }
.Ltmp2:
0x99: {  	v7 =	vld [tilespmem:s0+$0x10050];
	[tilespmem:s31+$0x13270] =	vst v2;
	s31 =	smov.u32 s0;
	(pc) =	sbr.rel @p1 .LBB2_7-.Ltmp2, $4  }
0x9a: {  	v6 =	vld [tilespmem:s31+$0x13250]  }
0x9b: {  	v4 =	vld [tilespmem:s31+$0x10060];
	v2 =	vmov v8  }
0x9c: {  	v9 =	vadd.f32 v11, v10;
	v5 =	vld [tilespmem:s31+$0x13260]  }
0x9d: {  	s1 =	sadd.s32 $0x100, s1;
	v8 =	vadd.f32 v12, v10;
	v3 =	vld [tilespmem:s31+$0x10070]  }
0x9e: {  	[tilespmem:s31+$0x10040] =	vst v9;
	v7 =	vadd.f32 v7, v1;
	v9 =	vld [tilespmem:s31+$0x13270]  }
0x9f: {  	[tilespmem:s31+$0x13240] =	vst v8;
	v1 =	vadd.f32 v6, v1  }
0xa0: {  	[tilespmem:s31+$0x10050] =	vst v7;
	v4 =	vadd.f32 v4, v0  }
0xa1: {  	[tilespmem:s31+$0x13250] =	vst v1;
	v0 =	vadd.f32 v5, v0  }
0xa2: {  	[tilespmem:s31+$0x10060] =	vst v4;
	v1 =	vadd.f32 v3, v2  }
0xa3: {  	s0 =	sshll.u32 s8, $0x3;
	[tilespmem:s31+$0x13260] =	vst v0;
	v0 =	vadd.f32 v9, v2  }
0xa4: {  	s0 =	sand.u32 $0x1FFFFF00, s0;
	[tilespmem:s31+$0x10070] =	vst v1  }
0xa5: {  	s0 =	sadd.s32 s2, s0;
	[tilespmem:s31+$0x13270] =	vst v0  }
0xa6: {  	[hbm4b:s0+s3] =	stream.linear.scatter [tilespmem:s23], [sflag:$0x7], $0x6400, $0x38;
	[tilespmem:$0x1C840] =	vst v63  }
0xa7: {  	s0 =	simm.s32 @!p0 $0x6  }
0xa8: {  	_ =	swait.ge @!p0 [sflag:s0], $0x6400  }
0xa9: {  	s1 =	sadd.s32 @!p0 s20, s14;
	[sflag:s0] =	ssyncset.done @!p0 $0x0  }
0xaa: {  	[sflag:s0] =	ssyncadd.s32 @!p0 $0xFFFF9C00;
	s0 =	sshrl.u32 @!p0 s1, $0x3  }
0xab: {  	s8 =	simm.s32 @!p0 $0x3390;
	s1 =	simm.s32 @!p0 $0x0;
	s0 =	sadd.s32 @!p0 s5, s0  }
0xac: {  	[tilespmem:s8], [sflag:$0x9] =	stream.linear.gather @!p0 [hbm4b:s0+s1], $0x190, $0x38;
	[tilespmem:$0x1C840] =	vst v63  }
0xad: {  	s0 =	simm.s32 @!p0 $0x9  }
0xae: {  	_ =	swait.ge @!p0 [sflag:s0], $0x190  }
0xaf: {  	[sflag:s0] =	ssyncset.done @!p0 $0x0  }
0xb0: {  	s1 =	simm.s32 @!p0 $0x9C40;
	[sflag:s0] =	ssyncadd.s32 @!p0 $0xFFFFFE70;
	s0 =	simm.s32 @!p0 $0x190  }
0xb1: {  	[tilespmem:s1], [sflag:$0x2] =	stream.indirect.gather @!p0 [hbm4b:s6+s0], $0x40, s8, s0, $0xb8;
	[tilespmem:$0x1C840] =	vst v63  }
0xb2: {  	_ =	swait.ge [sflag:s30], $0x6400  }
0xb3: {  	[sflag:s30] =	ssyncset.done $0x0  }
0xb4: {  	s8 =	simm.s32 $0x0;
	[sflag:s30] =	ssyncadd.s32 $0xFFFF9C00  }
0xb5: {  	v3 =	vld [tilespmem:s8+$0x0]  }
0xb6: {  	v1 =	vld [tilespmem:s8+$0x10]  }
0xb7: {  	v0 =	vld [tilespmem:s8+$0x20]  }
0xb8: {  	v2 =	vld [tilespmem:s8+$0x30]  }
0xb9: {  	v8 =	vld [tilespmem:s8+$0x16440]  }
0xba: {  	v10 =	vld [tilespmem:s8+$0x19640]  }
0xbb: {  	v7 =	vld [tilespmem:s8+$0x16450]  }
0xbc: {  	v6 =	vld [tilespmem:s8+$0x19650]  }
0xbd: {  	v4 =	vld [tilespmem:s8+$0x16460]  }
0xbe: {  	v5 =	vld [tilespmem:s8+$0x19660];
	v9 =	vadd.f32 v8, v3  }
0xbf: {  	s1 =	simm.s32 $0x100;
	v8 =	vadd.f32 v10, v3;
	v3 =	vld [tilespmem:s8+$0x16470]  }
.LBB2_9:
0xc0: {  	s0 =	sshra.s32 s1, $0x2;
	p0 =	sne.s32 s1, $0xC700;
	[tilespmem:s8+$0x16440] =	vst v9;
	v7 =	vadd.f32 v7, v1;
	v9 =	vld [tilespmem:s8+$0x19670]  }
0xc1: {  	v10 =	vld [tilespmem:s0+$0x0];
	[tilespmem:s8+$0x19640] =	vst v8;
	v6 =	vadd.f32 v6, v1  }
0xc2: {  	v1 =	vld [tilespmem:s0+$0x10];
	[tilespmem:s8+$0x16450] =	vst v7;
	v4 =	vadd.f32 v4, v0  }
0xc3: {  	[tilespmem:s8+$0x19650] =	vst v6;
	v5 =	vadd.f32 v5, v0;
	v0 =	vld [tilespmem:s0+$0x20]  }
0xc4: {  	v8 =	vld [tilespmem:s0+$0x30];
	[tilespmem:s8+$0x16460] =	vst v4;
	v3 =	vadd.f32 v3, v2  }
0xc5: {  	v11 =	vld [tilespmem:s0+$0x16440];
	[tilespmem:s8+$0x19660] =	vst v5;
	v2 =	vadd.f32 v9, v2  }
0xc6: {  	v12 =	vld [tilespmem:s0+$0x19640];
	[tilespmem:s8+$0x16470] =	vst v3  }
.Ltmp3:
0xc7: {  	v7 =	vld [tilespmem:s0+$0x16450];
	[tilespmem:s8+$0x19670] =	vst v2;
	s8 =	smov.u32 s0;
	(pc) =	sbr.rel @p0 .LBB2_9-.Ltmp3, $4  }
0xc8: {  	v6 =	vld [tilespmem:s8+$0x19650]  }
0xc9: {  	v4 =	vld [tilespmem:s8+$0x16460];
	v2 =	vmov v8  }
0xca: {  	v9 =	vadd.f32 v11, v10;
	v5 =	vld [tilespmem:s8+$0x19660]  }
0xcb: {  	s1 =	sadd.s32 $0x100, s1;
	v8 =	vadd.f32 v12, v10;
	v3 =	vld [tilespmem:s8+$0x16470]  }
0xcc: {  	[tilespmem:s8+$0x16440] =	vst v9;
	v7 =	vadd.f32 v7, v1;
	v59 =	vld [tilespmem:s8+$0x19670]  }
0xcd: {  	[tilespmem:s8+$0x19640] =	vst v8;
	v60 =	vadd.f32 v6, v1  }
0xce: {  	s17 =	sadd.s32 $0x1, s17;
	[tilespmem:s8+$0x16450] =	vst v7;
	v4 =	vadd.f32 v4, v0  }
0xcf: {  	p0 =	sne.s32 s17, $0x10;
	[tilespmem:s8+$0x19650] =	vst v60;
	v61 =	vadd.f32 v5, v0  }
.Ltmp4:
0xd0: {  	[tilespmem:s8+$0x16460] =	vst v4;
	v62 =	vadd.f32 v3, v2;
	(pc) =	sbr.rel @p0 .LBB2_2-.Ltmp4, $4  }
0xd1: {  	s0 =	sshll.u32 s15, $0x3;
	[tilespmem:s8+$0x19660] =	vst v61;
	v63 =	vadd.f32 v59, v2  }
0xd2: {  	s0 =	sand.u32 $0x1FFFFF80, s0;
	[tilespmem:s8+$0x16470] =	vst v62  }
0xd3: {  	s0 =	sadd.s32 s2, s0;
	[tilespmem:s8+$0x19670] =	vst v63  }
0xd4: {  	[hbm4b:s0+s3] =	stream.linear.scatter [tilespmem:s26], [sflag:$0x8], $0x6400, $0x38;
	[tilespmem:$0x1C840] =	vst v63  }
0xd5: {  	s0 =	simm.s32 $0x5  }
0xd6: {  	_ =	swait.ge [sflag:s0], $0x6400  }
0xd7: {  	[sflag:s0] =	ssyncset.done $0x0  }
0xd8: {  	s17 =	simm.s32 $0x6;
	[sflag:s0] =	ssyncadd.s32 $0xFFFF9C00  }
0xd9: {  	_ =	swait.ge [sflag:s17], $0x6400  }
0xda: {  	[sflag:s17] =	ssyncset.done $0x0  }
0xdb: {  	s20 =	simm.s32 $0x7;
	[sflag:s17] =	ssyncadd.s32 $0xFFFF9C00  }
0xdc: {  	_ =	swait.ge [sflag:s20], $0x6400  }
0xdd: {  	[sflag:s20] =	ssyncset.done $0x0  }
0xde: {  	[sflag:s20] =	ssyncadd.s32 $0xFFFF9C00  }
0xdf: {  	_ =	swait.ge [sflag:s7], $0x6400  }
0xe0: {  	s9 =	sadd.s32 $0x1, s9;
	s31 =	rddreg [dreg:$0x6]  }
0xe1: {  	p0 =	sne.s32 s9, s31  }
.Ltmp5:
0xe2: {  	_ = 	snop;
	(pc) =	sbr.rel @p0 .LBB2_1-.Ltmp5, $3  }
0xe3: {  	_ =	sdelay $0x1  }
0xe4: {  	[sflag:s7] =	ssyncset.done $0x0  }
0xe5: {  	[sflag:s7] =	ssyncadd.s32 $0xFFFF9C00  }
0xe6: {  	_ =	sfence.sel $0x180000  }
0xe7: {  	[bflag:$0x0] =	sbarrier.arrive $0xFFFF  }
0xe8: {  	_ =	strace $0x90000047  }
0xe9: {  	s0 =	stileid.u32;
	[bflag:$0x2] =	sbarrier.arrive $0xFFFF  }
0xea: {  	p0 =	sne.s32 s0, $0x0;
	s0 =	rddreg [dreg:$0x2]  }
0xeb: {  	s0 =	sadd.s32 @!p0 $0x100000, s0  }
0xec: {  	[sflag:s0] =	ssyncadd.tile.s32 @!p0 $0x1;
	_ =	shalt  }
.Lfunc_end2:
_tile_overlayer_lowered:
.L_overlay_start_2:
0xed: {  	(tag) =	ssettag $0x2  }
0xee: {  	s0 =	rddreg [dreg:$0x0];
	s2 =	stileid.u32  }
0xef: {  	s1 =	rddreg [dreg:$0x1];
	p0 =	sne.s32 s2, $0x0  }
0xf0: {  	s3 =	rddreg [dreg:$0x2];
	[bflag:$0x3] =	sbarrier.arrive $0xFFFF;
	s2 =	simm.s32 @!p0 $0x1C09  }
0xf1: {  	[timem:s3], [sflag:s2] =	dma.local @!p0 [hbm:s0], s1  }
0xf2: {  	s0 =	simm.s32 @!p0 $0x9  }
0xf3: {  	_ =	swait.ge @!p0 [sflag:s0], s1  }
0xf4: {  	s1 =	ssub.s32 @!p0 $0x0, s1;
	[sflag:s0] =	ssyncset.done @!p0 $0x0  }
0xf5: {  	[sflag:s0] =	ssyncadd.s32 @!p0 s1  }
0xf6: {  	[bflag:$0x3] =	sbarrier.arrive $0xFFFF  }
0xf7: {  	_ =	shalt  }

// kernel: sparse-core-data-format-call.cloned.1.call-start
scs
called_computation_lowered:
.L_overlay_start_0:
0x0: {  	s2 =	sld [smem:$0x3FD9]  }
0x1: {  	s3 =	sld [smem:$0x3FFE];
	_ =	sdelay $0x1  }
0x2: {  	s1 =	srdreg.scid  }
0x3: {  	s0 =	sand.u32 $0x1, s1  }
0x4: {  	s18 =	sshll.u32 s0, $0xA;
	s2 =	sadd.s32 s3, s2  }
0x5: {  	s2 =	sadd.s32 s2, s18  }
0x6: {  	[smem:$0x3FC5] =	sst s2  }
0x7: {  	_ = 	snop  }
0x8: {  	s2 =	sld [smem:$0x3FD0];
	(tm) =	ssettm $0x1  }
0x9: {  	s19 =	sld [smem:$0x3FFB];
	_ =	sdelay $0x3  }
0xa: {  	_ =	strace s19  }
0xb: {  	s3 =	sld [smem:$0x3FFC];
	_ =	sdelay $0x3  }
0xc: {  	_ =	strace s3  }
0xd: {  	s3 =	sld [smem:$0x3FFD];
	_ =	sdelay $0x3  }
0xe: {  	_ =	strace s3  }
0xf: {  	_ =	strace $0x8FFFFFFF  }
0x10: {  	s20 =	sld [smem:$0x3FDB];
	_ =	sdelay $0x1  }
0x11: {  	s4 =	simm.s32 $_scs_section_size  }
0x12: {  	s5 =	simm.s32 $_size__tile_overlayer_lowered;
	s6 =	simm.s32 $_tile_overlayer_lowered  }
0x13: {  	s23 =	simm.s32 $0x1BFF;
	s22 =	sshll.u32 s6, $0x1;
	s3 =	sadd.s32 s4, s20  }
0x14: {  	s7 =	simm.s32 $0x0;
	s21 =	sshll.u32 s5, $0x1;
	s5 =	sadd.s32 s22, s3  }
0x15: {  	[timem:s7], [sflag:s23] =	dma.local [hbm:s5], s21  }
0x16: {  	_ =	swait.ge [sflag:s23], s21  }
0x17: {  	s4 =	ssub.s32 $0x0, s21;
	[sflag:s23] =	ssyncset.done $0x0  }
0x18: {  	[sflag:s23] =	ssyncadd.s32 s4;
	_ =	sdelay $0x1  }
0x19: {  	s24 =	simm.s32 $0x1B8B  }
0x1a: {  	_ =	swait.ge [sflag:s24], $0x1  }
0x1b: {  	[sflag:s24] =	ssyncset.done $0x0  }
0x1c: {  	s26 =	simm.s32 $0x1B8E;
	s25 =	sld [smem:$0x3FFE];
	[sflag:s24] =	ssyncadd.s32 $0xFFFFFFFF  }
0x1d: {  	s27 =	simm.s32 $execute0_lowered;
	[smem:$0x3FD2] =	sst s26  }
0x1e: {  	s5 =	sshll.u32 s27, $0x1;
	_ =	strace $0x80000049;
	[dreg:$0x1] =	wrdreg $0xFFFFFFFF  }
0x1f: {  	s28 =	simm.s32 $_size_execute0_lowered;
	s3 =	sadd.s32 s3, s5;
	[dreg:$0x0] =	wrdreg $0x0  }
0x20: {  	s5 =	sshll.u32 s28, $0x1;
	[dreg:$0x2] =	wrdreg s3  }
0x21: {  	[dreg:$0x3] =	wrdreg s5  }
0x22: {  	[dreg:$0x4] =	wrdreg $0xC0  }
0x23: {  	_ =	task [dreg:s7], $0x5FFFF  }
0x24: {  	[dreg:$0x1] =	wrdreg $0xFFFFFFFF  }
0x25: {  	[dreg:$0x0] =	wrdreg $0x60  }
0x26: {  	[dreg:$0x2] =	wrdreg s25  }
0x27: {  	[dreg:$0x3] =	wrdreg s2  }
0x28: {  	[dreg:$0x4] =	wrdreg $0x9  }
0x29: {  	_ =	task.clear_ibuf [dreg:s7], $0x5FFFF;
	_ =	strace $0x90000049  }
0x2a: {  	s29 =	simm.s32 $0x9;
	_ =	strace $0x8000004B  }
0x2b: {  	_ =	swait.ge [sflag:s29], $0x1  }
0x2c: {  	[sflag:s29] =	ssyncadd.s32 $0xFFFFFFFF  }
0x2d: {  	_ =	strace $0x9000004B  }
0x2e: {  	_ =	sfence  }
0x2f: {  	s30 =	sld [smem:$0x0];
	_ =	sdelay $0x2  }
0x30: {  	s31 =	sshll.u32 s1, $0xD;
	s1 =	sshrl.u32 s1, $0x2  }
0x31: {  	s3 =	sand.u32 $0x4000, s31;
	s1 =	sadd.s32 s1, s30  }
0x32: {  	s0 =	sor.u32 s3, s0;
	s1 =	sshll.u32 s1, $0x11  }
0x33: {  	s0 =	sor.u32 s1, s0  }
0x34: {  	s0 =	sadd.s32 $0x8F2B, s0  }
0x35: {  	[sflag:s0] =	ssyncadd.remote.s32 $0x1  }
0x36: {  	_ =	sfence.sel $0xFFFF  }
0x37: {  	[dreg:$0x0] =	wrdreg $0xFFFFFFFF;
	(pc) =	sbr.abs _section_cstart, $3  }
0x38: {  	[dreg:$0x1] =	wrdreg $0xFFFFFFFF  }
0x39: {  	_ =	task.clear_ibuf [dreg:s7], $0x2FFFF;
	_ =	strace $0x9FFFFFFF  }
0x3a: {  	(tm) =	ssettm $0x7FFFFFFF  }
0x3b: {  	_ =	shalt  }
tec
execute0_lowered:
.L_overlay_start_1:
0x0: {  	(tag) =	ssettag $0x1  }
0x1: {  	s0 =	srdreg.scid  }
0x2: {  	s1 =	sshll.u32 s0, $0x4  }
0x3: {  	s0 =	stileid.u32;
	s1 =	sand.u32 $0x10, s1  }
0x4: {  	s1 =	sor.u32 s0, s1  }
0x5: {  	s6 =	rddreg [dreg:$0x0];
	s4 =	simm.s32 $0x1;
	s2 =	sshll.u32 s1, $0x7  }
0x6: {  	s7 =	simm.s32 $0x2;
	s12 =	simm.s32 $0x0;
	s1 =	ssub.s32 $0x1000, s2  }
0x7: {  	s8 =	simm.s32 $0x8000;
	s13 =	simm.s32 $0x0;
	s3 =	sand.u32 $0xF80, s1  }
0x8: {  	s9 =	simm.s32 $0x0;
	s5 =	sshrl.u32 s1, $0xC;
	p0 =	sne.s32 s3, $0x0  }
.Ltmp0:
0x9: {  	s1 =	rddreg [dreg:$0x2];
	s4 =	simm.s32 @!p0 $0x0;
	(pc) =	sbr.rel .LBB1_1-.Ltmp0, $4  }
0xa: {  	s11 =	simm.s32 $0x0;
	s3 =	rddreg [dreg:$0x1];
	s5 =	sadd.s32 s4, s5  }
0xb: {  	_ =	strace $0x8000004A;
	s4 =	simm.s32 $0x1;
	s5 =	smul.u32 $0xC8, s5  }
0xc: {  	s6 =	sadd.s32 $0x800, s6;
	s10 =	smov.u32 s2;
	[sflag:s4] =	ssyncpa.u1 $0x0  }
0xd: {  	p0 =	por $0x0, $0x0;
	[sflag:s7] =	ssyncpa.u1 $0x0;
	s7 =	sor.u32 $0x1, s5  }
.LBB1_4:
0xe: {  	s16 =	sshll.u32 s13, $0x3;
	s17 =	sand.u32 $0x78, s13  }
0xf: {  	s30 =	sand.u32 $0x7E00, s13;
	s12 =	sshll.u32 s12, $0xF;
	s16 =	sand.u32 $0xC00, s16  }
0x10: {  	[tilespmem:s15+$0x810 ss:$0x81] =	vst.msk $0xffff, v2;
	s31 =	sand.u32 $0x7, s13;
	s16 =	sor.u32 s17, s16;
	s17 =	sadd.s32 s3, s30  }
0x11: {  	[tilespmem:s15+$0x1020 ss:$0x81] =	vst.msk $0xffff, v0;
	s13 =	sshll.u32 s31, $0x12;
	s12 =	sadd.s32 s12, s17;
	s16 =	sshrl.u32 s16, $0x3  }
0x12: {  	[tilespmem:s15+$0x0 ss:$0x81] =	vst.msk $0xffff, v1;
	s13 =	sor.u32 $0x400, s13;
	s12 =	sadd.s32 s16, s12  }
0x13: {  	[hbm4b:s12+s13] =	stream.strided.scatter [tilespmem:s14], [sflag:$0x2], $0x2000, s8, s13, $0x20;
	[tilespmem:$0x8080] =	vst v63  }
.LBB1_5:
0x14: {  	s14 =	sadd.s32 $0x1, s9  }
0x15: {  	s12 =	sadd.s32 $0x1000, s10;
	s16 =	smov.u32 s10;
	p2 =	sgt.s32 s14, $0xC7  }
0x16: {  	s16 =	smov.u32 @p2 s12  }
0x17: {  	s14 =	simm.s32 @p2 $0x0;
	p2 =	sgt.s32 s16, $0xFFF  }
0x18: {  	s16 =	smov.u32 @p2 s2;
	p2 =	sne.s32 s11, s7  }
.Ltmp1:
0x19: {  	p1 =	slt.u32 s11, $0x2;
	(pc) =	sbr.rel @!p2 .LBB1_6-.Ltmp1, $4  }
0x1a: {  	s15 =	simm.s32 @!p1 $0x2  }
0x1b: {  	s13 =	smov.u32 s10;
	p0 =	por !p0, !p0;
	_ =	swait.ge @!p1 [sflag:s15], $0x2000  }
0x1c: {  	s12 =	smov.u32 s9;
	[sflag:s15] =	ssyncset.done @!p1 $0x0;
	s9 =	smov.u32 s14  }
0x1d: {  	s11 =	sadd.s32 $0x1, s11;
	[sflag:s15] =	ssyncadd.s32 @!p1 $0xFFFFE000;
	s10 =	smov.u32 s16  }
.LBB1_1:
0x1e: {  	p1 =	sge.u32 s11, s5  }
0x1f: {  	s14 =	sand.u32 @!p1 $0x1FFFFFF, s9  }
0x20: {  	s15 =	smulhi.u32 @!p1 $0x147AE15, s14;
	_ =	sdelay $0x1  }
0x21: {  	s15 =	smul.u32 @!p1 $0xC8, s15  }
0x22: {  	s16 =	sxor.u32 @!p1 $0xFFFFFFFF, s11;
	s17 =	smul.u32 @!p1 $0xC80, s10  }
0x23: {  	s31 =	sadd.s32 $0xFFFFFFFF, s11;
	s16 =	sshll.u32 @!p1 s16, $0xD;
	s14 =	ssub.s32 @!p1 s14, s15  }
0x24: {  	s15 =	sand.u32 @!p1 $0x2000, s16;
	s16 =	sadd.s32 @!p1 s6, s17;
	s14 =	sshll.u32 @!p1 s14, $0x4  }
0x25: {  	s17 =	simm.s32 @!p1 $0x6400;
	s14 =	sadd.s32 @!p1 s14, s16;
	s16 =	simm.s32 @!p1 $0x40  }
0x26: {  	[tilespmem:s15], [sflag:$0x1] =	stream.strided.gather @!p1 [hbm4b:s14+s16], $0x2000, s17, s16, $0x38;
	[tilespmem:$0x8080] =	vst v63  }
0x27: {  	p1 =	sge.u32 s31, s5  }
.Ltmp2:
0x28: {  	_ = 	snop;
	(pc) =	sbr.rel @p1 .LBB1_5-.Ltmp2, $1  }
0x29: {  	_ =	sdelay $0x3  }
0x2a: {  	s14 =	simm.s32 $0x1  }
0x2b: {  	_ =	swait.ge [sflag:s4], $0x2000;
	s14 =	simm.s32 @!p0 $0x0  }
0x2c: {  	[sflag:s4] =	ssyncset.done $0x0;
	s15 =	sshll.u32 s14, $0xD  }
0x2d: {  	[sflag:s4] =	ssyncadd.s32 $0xFFFFE000;
	s18 =	sor.u32 $0x20, s15  }
0x2e: {  	s14 =	smul.u32 $0x8100, s14;
	v3 =	vld [tilespmem:s18+$0x10]  }
0x2f: {  	s30 =	sand.u32 $0x1, s11;
	v2 =	vld [tilespmem:s18+$0xFFFFFFF0]  }
0x30: {  	s15 =	smul.u32 $0x8100, s30;
	s14 =	sshrl.u32 s14, $0x2;
	v0 =	vld [tilespmem:s18+$0x0]  }
0x31: {  	v1 =	vld [tilespmem:s18+$0xFFFFFFE0];
	s16 =	sor.u32 $0x4000, s14  }
0x32: {  	s31 =	sshrl.u32 s15, $0x2;
	s15 =	sadd.s32 $0x0, s16  }
0x33: {  	s17 =	simm.s32 $0x4;
	s18 =	sadd.s32 $0x40, s18;
	s14 =	sor.u32 $0x4000, s31;
	[tilespmem:s15+$0x1830 ss:$0x81] =	vst.msk $0xffff, v3  }
.LBB1_3:
0x34: {  	v3 =	vld [tilespmem:s18+$0x10];
	p1 =	sne.s32 s17, $0x1FC;
	[tilespmem:s15+$0x810 ss:$0x81] =	vst.msk $0xffff, v2;
	s19 =	smov.u32 s17;
	s17 =	sadd.s32 $0x4, s17  }
.Ltmp3:
0x35: {  	v2 =	vld [tilespmem:s18+$0xFFFFFFF0];
	[tilespmem:s15+$0x1020 ss:$0x81] =	vst.msk $0xffff, v0;
	(pc) =	sbr.rel @p1 .LBB1_3-.Ltmp3, $4  }
0x36: {  	v0 =	vld [tilespmem:s18+$0x0];
	[tilespmem:s15+$0x0 ss:$0x81] =	vst.msk $0xffff, v1  }
0x37: {  	s15 =	sshra.s32 s19, $0x2;
	v1 =	vld [tilespmem:s18+$0xFFFFFFE0]  }
0x38: {  	s15 =	sadd.s32 s15, s16  }
0x39: {  	s18 =	sadd.s32 $0x40, s18;
	[tilespmem:s15+$0x1830 ss:$0x81] =	vst.msk $0xffff, v3  }
.Ltmp4:
0x3a: {  	_ = 	snop;
	(pc) =	sbr.rel .LBB1_4-.Ltmp4, $1  }
0x3b: {  	_ =	sdelay $0x3  }
.LBB1_6:
0x3c: {  	_ =	sfence.sel $0x180000  }
0x3d: {  	s2 =	simm.s32 $0x1;
	[bflag:$0x0] =	sbarrier.arrive $0xFFFF  }
0x3e: {  	s31 =	simm.s32 $0x2;
	[sflag:s2] =	ssyncpa.u1 $0x1  }
0x3f: {  	[sflag:s31] =	ssyncpa.u1 $0x1  }
0x40: {  	p0 =	sne.s32 s0, $0x0;
	_ =	strace $0x9000004A  }
0x41: {  	s0 =	sadd.s32 @!p0 $0x100000, s1;
	[bflag:$0x2] =	sbarrier.arrive $0xFFFF  }
0x42: {  	[sflag:s0] =	ssyncadd.tile.s32 @!p0 $0x1;
	_ =	shalt  }
.Lfunc_end1:
_tile_overlayer_lowered:
.L_overlay_start_2:
0x43: {  	(tag) =	ssettag $0x2  }
0x44: {  	s0 =	rddreg [dreg:$0x0];
	s2 =	stileid.u32  }
0x45: {  	s1 =	rddreg [dreg:$0x1];
	p0 =	sne.s32 s2, $0x0  }
0x46: {  	s3 =	rddreg [dreg:$0x2];
	[bflag:$0x3] =	sbarrier.arrive $0xFFFF;
	s2 =	simm.s32 @!p0 $0x1C01  }
0x47: {  	[timem:s3], [sflag:s2] =	dma.local @!p0 [hbm:s0], s1  }
0x48: {  	s0 =	simm.s32 @!p0 $0x1  }
0x49: {  	_ =	swait.ge @!p0 [sflag:s0], s1  }
0x4a: {  	s1 =	ssub.s32 @!p0 $0x0, s1;
	[sflag:s0] =	ssyncset.done @!p0 $0x0  }
0x4b: {  	[sflag:s0] =	ssyncadd.s32 @!p0 s1  }
0x4c: {  	[bflag:$0x3] =	sbarrier.arrive $0xFFFF  }
0x4d: {  	_ =	shalt  }

</sc_bundles>
